<compile_context>
chip_gen: v7x
topology: tpu7x:2x2x1
jax: 0.10.2.dev20260603
libtpu: 0.0.44.dev20260713+nightly
codegen_flags: <defaults>
</compile_context>

<pallas_src>
import functools

import jax
import jax.numpy as jnp
from jax.experimental import pallas as pl
from jax.experimental.pallas import tpu as pltpu

C = 64
H = W = 28
HW = H * W
PAD = 32
SEG = HW + 2 * PAD


def _conv_body(apply_act, g_imgs, x_ref, w_ref, b_ref, s_ref, t_ref,
               out_ref, stat_ref, buf_ref):
    step = pl.program_id(0)

    @pl.when(step == 0)
    def _init():
        stat_ref[...] = jnp.zeros_like(stat_ref)
        buf_ref[...] = jnp.zeros_like(buf_ref)

    x = x_ref[...]
    s = s_ref[...][None]
    t = t_ref[...][None]
    xn = x * s + t
    if apply_act:
        xn = jnp.maximum(xn, 0.0)

    col = jax.lax.broadcasted_iota(jnp.int32, (1, HW), 1) % W
    m_left = jnp.where(col == W - 1, 0.0, 1.0)
    m_right = jnp.where(col == 0, 0.0, 1.0)

    for g in range(g_imgs):
        xg = xn[g]
        base = PAD + g * SEG
        buf_ref[0, :, base:base + HW] = xg * m_left
        buf_ref[1, :, base:base + HW] = xg
        buf_ref[2, :, base:base + HW] = xg * m_right

    wtot = g_imgs * SEG - 2 * PAD
    acc = None
    for ky in range(3):
        for kx in range(3):
            off = (ky - 1) * W + (kx - 1)
            xs = buf_ref[kx, :, PAD + off:PAD + off + wtot]
            part = jnp.dot(w_ref[ky * 3 + kx], xs,
                           preferred_element_type=jnp.float32)
            acc = part if acc is None else acc + part
    y = acc + b_ref[...]

    ssum = None
    ssq = None
    for g in range(g_imgs):
        yg = y[:, g * SEG:g * SEG + HW]
        if out_ref.shape[0] == g_imgs:
            out_ref[g] = yg
        else:
            out_ref[:, g, :] = yg
        ps = jnp.sum(yg, axis=1)
        pq = jnp.sum(yg * yg, axis=1)
        ssum = ps if ssum is None else ssum + ps
        ssq = pq if ssq is None else ssq + pq
    stat_ref[0:1, :] = stat_ref[0:1, :] + ssum[None]
    stat_ref[1:2, :] = stat_ref[1:2, :] + ssq[None]


def _conv_layer(x, wtaps, b, s, t, apply_act, out_cmajor, g_imgs):
    batch = x.shape[0]
    grid = batch // g_imgs
    out_shape = (C, batch, HW) if out_cmajor else (batch, C, HW)
    out_spec = (pl.BlockSpec((C, g_imgs, HW), lambda i: (0, i, 0))
                if out_cmajor else
                pl.BlockSpec((g_imgs, C, HW), lambda i: (i, 0, 0)))
    return pl.pallas_call(
        functools.partial(_conv_body, apply_act, g_imgs),
        grid=(grid,),
        in_specs=[
            pl.BlockSpec((g_imgs, C, HW), lambda i: (i, 0, 0)),
            pl.BlockSpec((9, C, C), lambda i: (0, 0, 0)),
            pl.BlockSpec((C, 1), lambda i: (0, 0)),
            pl.BlockSpec((C, 1), lambda i: (0, 0)),
            pl.BlockSpec((C, 1), lambda i: (0, 0)),
        ],
        out_specs=[out_spec, pl.BlockSpec((8, C), lambda i: (0, 0))],
        out_shape=[jax.ShapeDtypeStruct(out_shape, jnp.float32),
                   jax.ShapeDtypeStruct((8, C), jnp.float32)],
        scratch_shapes=[pltpu.VMEM((3, C, g_imgs * SEG), jnp.float32)],
    )(x, wtaps, b, s, t)


def _fc_body(g_imgs, x_ref, w_ref, b_ref, s_ref, t_ref, out_ref, stat_ref):
    step = pl.program_id(0)

    @pl.when(step == 0)
    def _init():
        stat_ref[...] = jnp.zeros_like(stat_ref)

    x = x_ref[...]
    s = s_ref[...][:, :, None]
    t = t_ref[...][:, :, None]
    xn = jnp.maximum(x * s + t, 0.0)
    w = w_ref[...]
    b = b_ref[...]
    ssum = None
    ssq = None
    for g in range(g_imgs):
        e = jnp.dot(w, xn[:, g, :], preferred_element_type=jnp.float32) + b
        out_ref[:, g, :] = e
        ps = jnp.sum(e, axis=1)
        pq = jnp.sum(e * e, axis=1)
        ssum = ps if ssum is None else ssum + ps
        ssq = pq if ssq is None else ssq + pq
    stat_ref[0:1, :] = stat_ref[0:1, :] + ssum[None]
    stat_ref[1:2, :] = stat_ref[1:2, :] + ssq[None]


def _fc_layer(x, w, b, s, t, g_imgs):
    batch = x.shape[1]
    grid = batch // g_imgs
    return pl.pallas_call(
        functools.partial(_fc_body, g_imgs),
        grid=(grid,),
        in_specs=[
            pl.BlockSpec((C, g_imgs, HW), lambda i: (0, i, 0)),
            pl.BlockSpec((C, C), lambda i: (0, 0)),
            pl.BlockSpec((C, 1), lambda i: (0, 0)),
            pl.BlockSpec((C, 1), lambda i: (0, 0)),
            pl.BlockSpec((C, 1), lambda i: (0, 0)),
        ],
        out_specs=[pl.BlockSpec((C, g_imgs, HW), lambda i: (0, i, 0)),
                   pl.BlockSpec((8, C), lambda i: (0, 0))],
        out_shape=[jax.ShapeDtypeStruct((C, batch, HW), jnp.float32),
                   jax.ShapeDtypeStruct((8, C), jnp.float32)],
    )(x, w, b, s, t)


def _final_body(g_imgs, x_ref, s_ref, t_ref, out_ref):
    x = x_ref[...]
    s = s_ref[...][:, :, None]
    t = t_ref[...][:, :, None]
    y = jnp.maximum(x * s + t, 0.0)
    nrm = jnp.sqrt(jnp.sum(y * y, axis=0, keepdims=True))
    e = y / (nrm + 1e-8)
    for g in range(g_imgs):
        out_ref[g] = e[:, g, :].T


def _final_layer(x, s, t, g_imgs):
    batch = x.shape[1]
    grid = batch // g_imgs
    return pl.pallas_call(
        functools.partial(_final_body, g_imgs),
        grid=(grid,),
        in_specs=[
            pl.BlockSpec((C, g_imgs, HW), lambda i: (0, i, 0)),
            pl.BlockSpec((C, 1), lambda i: (0, 0)),
            pl.BlockSpec((C, 1), lambda i: (0, 0)),
        ],
        out_specs=pl.BlockSpec((g_imgs, HW, C), lambda i: (i, 0, 0)),
        out_shape=jax.ShapeDtypeStruct((batch, HW, C), jnp.float32),
    )(x, s, t)


def _fold_bn(stat, gamma, beta, n):
    mu = stat[0] / n
    var = stat[1] / n - mu * mu
    scale = gamma * jax.lax.rsqrt(var + 1e-5)
    shift = beta - mu * scale
    return scale.reshape(C, 1), shift.reshape(C, 1)


def _taps(w):
    return jnp.transpose(w, (2, 3, 0, 1)).reshape(9, C, C)


def kernel(x, conv0a_w, conv0a_b, bn0a_g, bn0a_b, conv0b_w, conv0b_b, bn0b_g, bn0b_b,
           conv1a_w, conv1a_b, bn1a_g, bn1a_b, conv1b_w, conv1b_b, bn1b_g, bn1b_b,
           fc0_w, fc0_b, bnf0_g, bnf0_b, fc1_w, fc1_b, bnf1_g, bnf1_b):
    batch = x.shape[0]
    g_imgs = 8 if batch % 8 == 0 else 1
    n = batch * HW
    x3 = x.reshape(batch, C, HW)
    ones = jnp.ones((C, 1), jnp.float32)
    zeros = jnp.zeros((C, 1), jnp.float32)

    y, st = _conv_layer(x3, _taps(conv0a_w), conv0a_b.reshape(C, 1),
                        ones, zeros, False, False, g_imgs)
    s, t = _fold_bn(st, bn0a_g, bn0a_b, n)
    y, st = _conv_layer(y, _taps(conv0b_w), conv0b_b.reshape(C, 1),
                        s, t, True, False, g_imgs)
    s, t = _fold_bn(st, bn0b_g, bn0b_b, n)
    y, st = _conv_layer(y, _taps(conv1a_w), conv1a_b.reshape(C, 1),
                        s, t, True, False, g_imgs)
    s, t = _fold_bn(st, bn1a_g, bn1a_b, n)
    y, st = _conv_layer(y, _taps(conv1b_w), conv1b_b.reshape(C, 1),
                        s, t, True, True, g_imgs)
    s, t = _fold_bn(st, bn1b_g, bn1b_b, n)

    e, st = _fc_layer(y, fc0_w, fc0_b.reshape(C, 1), s, t, g_imgs)
    s, t = _fold_bn(st, bnf0_g, bnf0_b, n)
    e, st = _fc_layer(e, fc1_w, fc1_b.reshape(C, 1), s, t, g_imgs)
    s, t = _fold_bn(st, bnf1_g, bnf1_b, n)

    out = _final_layer(e, s, t, g_imgs)
    return out.reshape(batch * HW, C)

# --- scband reference (transcript-rebuilt; emitter-appended) ---
"""Pipeline reference for scband-contrastive-head-myself-39101382263057 (READ-ONLY COPY).

The authoritative reference and input builder live on the scoring server;
editing this copy changes nothing except your own understanding.
"""

import jax, jax.numpy as jnp
import numpy as np


def _conv_bn_relu(x, w, b, g, bb):
    y = jax.lax.conv_general_dilated(x, w, (1, 1), 'SAME', dimension_numbers=('NCHW', 'OIHW', 'NCHW'))
    y = y + b[None, :, None, None]
    mu = jnp.mean(y, axis=(0, 2, 3), keepdims=True)
    var = jnp.var(y, axis=(0, 2, 3), keepdims=True)
    y = (y - mu) / jnp.sqrt(var + 1e-5) * g[None, :, None, None] + bb[None, :, None, None]
    return jax.nn.relu(y)


def _fc_bn_relu(x, w, b, g, bb):
    y = x @ w.T + b
    mu = jnp.mean(y, axis=0, keepdims=True)
    var = jnp.var(y, axis=0, keepdims=True)
    y = (y - mu) / jnp.sqrt(var + 1e-5) * g + bb
    return jax.nn.relu(y)


def _forward(x, conv0a_w, conv0a_b, bn0a_g, bn0a_b, conv0b_w, conv0b_b, bn0b_g, bn0b_b,
             conv1a_w, conv1a_b, bn1a_g, bn1a_b, conv1b_w, conv1b_b, bn1b_g, bn1b_b,
             fc0_w, fc0_b, bnf0_g, bnf0_b, fc1_w, fc1_b, bnf1_g, bnf1_b):
    h = _conv_bn_relu(x, conv0a_w, conv0a_b, bn0a_g, bn0a_b)
    h = _conv_bn_relu(h, conv0b_w, conv0b_b, bn0b_g, bn0b_b)
    h = _conv_bn_relu(h, conv1a_w, conv1a_b, bn1a_g, bn1a_b)
    h = _conv_bn_relu(h, conv1b_w, conv1b_b, bn1b_g, bn1b_b)
    B, C, H, W = h.shape
    pix = jnp.transpose(h, (0, 2, 3, 1)).reshape(-1, C)
    e = _fc_bn_relu(pix, fc0_w, fc0_b, bnf0_g, bnf0_b)
    e = _fc_bn_relu(e, fc1_w, fc1_b, bnf1_g, bnf1_b)
    e = e / (jnp.linalg.norm(e, axis=1, keepdims=True) + 1e-8)
    return e


def setup_inputs(seed: int = 0) -> dict:
    key = jax.random.key(seed)
    ks = jax.random.split(key, 32)
    B, C, H, W = 512, 64, 28, 28
    inp = {'x': jax.random.normal(ks[0], (B, C, H, W), dtype=jnp.float32)}
    i = 1
    for blk in range(2):
        for sub in ('a', 'b'):
            inp['conv%d%s_w' % (blk, sub)] = jax.random.normal(ks[i], (64, 64, 3, 3), dtype=jnp.float32) * 0.05
            i += 1
            inp['conv%d%s_b' % (blk, sub)] = jnp.zeros((64,), dtype=jnp.float32)
            inp['bn%d%s_g' % (blk, sub)] = jnp.ones((64,), dtype=jnp.float32)
            inp['bn%d%s_b' % (blk, sub)] = jnp.zeros((64,), dtype=jnp.float32)
    for f in range(2):
        inp['fc%d_w' % f] = jax.random.normal(ks[i], (64, 64), dtype=jnp.float32) * 0.05
        i += 1
        inp['fc%d_b' % f] = jnp.zeros((64,), dtype=jnp.float32)
        inp['bnf%d_g' % f] = jnp.ones((64,), dtype=jnp.float32)
        inp['bnf%d_b' % f] = jnp.zeros((64,), dtype=jnp.float32)
    return inp


def reference(x, conv0a_w, conv0a_b, bn0a_g, bn0a_b, conv0b_w, conv0b_b, bn0b_g, bn0b_b,
              conv1a_w, conv1a_b, bn1a_g, bn1a_b, conv1b_w, conv1b_b, bn1b_g, bn1b_b,
              fc0_w, fc0_b, bnf0_g, bnf0_b, fc1_w, fc1_b, bnf1_g, bnf1_b):
    return _forward(x, conv0a_w, conv0a_b, bn0a_g, bn0a_b, conv0b_w, conv0b_b, bn0b_g, bn0b_b,
                    conv1a_w, conv1a_b, bn1a_g, bn1a_b, conv1b_w, conv1b_b, bn1b_g, bn1b_b,
                    fc0_w, fc0_b, bnf0_g, bnf0_b, fc1_w, fc1_b, bnf1_g, bnf1_b)

if __name__ == "__main__":
    import jax
    _d = setup_inputs()
    print(jax.jit(kernel)(*tuple(_d.values())))

</pallas_src>

<mosaic_0001>
module attributes {stable_mosaic.version = 14 : i64} {
  func.func @_conv_body(%arg0: i32, %arg1: memref<8x64x784xf32, #tpu.memory_space<vmem>>, %arg2: memref<9x64x64xf32, #tpu.memory_space<vmem>>, %arg3: memref<64x1xf32, #tpu.memory_space<vmem>>, %arg4: memref<64x1xf32, #tpu.memory_space<vmem>>, %arg5: memref<64x1xf32, #tpu.memory_space<vmem>>, %arg6: memref<8x64x784xf32, #tpu.memory_space<vmem>>, %arg7: memref<8x64xf32, #tpu.memory_space<vmem>>, %arg8: memref<3x64x6784xf32, #tpu.memory_space<vmem>>) attributes {dimension_semantics = [#tpu.dimension_semantics<arbitrary>], iteration_bounds = array<i64: 64>, scalar_prefetch = 0 : i64, scratch_operands = 1 : i64, tpu.core_type = #tpu.core_type<tc>, window_params = [{transform_indices = @transform_0, window_bounds = array<i64: 8, 64, 784>}, {pipeline_mode = #tpu.pipeline_mode<synchronous>, transform_indices = @transform_1, window_bounds = array<i64: 9, 64, 64>}, {pipeline_mode = #tpu.pipeline_mode<synchronous>, transform_indices = @transform_2, window_bounds = array<i64: 64, 1>}, {pipeline_mode = #tpu.pipeline_mode<synchronous>, transform_indices = @transform_3, window_bounds = array<i64: 64, 1>}, {pipeline_mode = #tpu.pipeline_mode<synchronous>, transform_indices = @transform_4, window_bounds = array<i64: 64, 1>}, {transform_indices = @transform_5, window_bounds = array<i64: 8, 64, 784>}, {pipeline_mode = #tpu.pipeline_mode<synchronous>, transform_indices = @transform_6, window_bounds = array<i64: 8, 64>}]} {
    %eq3A = arith.constant 0 : i32
    %eq3A_0 = arith.cmpi eq, %arg0, %eq3A : i32
    %convert_element_type3A = arith.extui %eq3A_0 : i1 to i32
    %cond3A = arith.constant 0 : i32
    %cond3A_1 = arith.cmpi ne, %convert_element_type3A, %cond3A : i32
    scf.if %cond3A_1 {
      %broadcast_in_dim3A_482 = arith.constant 0.000000e+00 : f32
      %broadcast_in_dim3A_483 = vector.broadcast %broadcast_in_dim3A_482 : f32 to vector<8x64xf32>
      %swap3A_484 = arith.constant 0 : index
      %swap3A_485 = arith.constant 0 : index
      %swap3A_486 = vector.load %arg7[%swap3A_484, %swap3A_485] : memref<8x64xf32, #tpu.memory_space<vmem>>, vector<8x64xf32>
      tpu.vector_store %arg7[%swap3A_484, %swap3A_485], %broadcast_in_dim3A_483 {strides = array<i32>} : memref<8x64xf32, #tpu.memory_space<vmem>>, vector<8x64xf32>,
      %broadcast_in_dim3A_487 = arith.constant 0.000000e+00 : f32
      %broadcast_in_dim3A_488 = vector.broadcast %broadcast_in_dim3A_487 : f32 to vector<3x64x6784xf32>
      %swap3A_489 = arith.constant 0 : index
      %swap3A_490 = arith.constant 0 : index
      %swap3A_491 = arith.constant 0 : index
      %swap3A_492 = vector.load %arg8[%swap3A_489, %swap3A_490, %swap3A_491] : memref<3x64x6784xf32, #tpu.memory_space<vmem>>, vector<3x64x6784xf32>
      tpu.vector_store %arg8[%swap3A_489, %swap3A_490, %swap3A_491], %broadcast_in_dim3A_488 {strides = array<i32>} : memref<3x64x6784xf32, #tpu.memory_space<vmem>>, vector<3x64x6784xf32>,
    } else {
    }
    %get3A = arith.constant 0 : index
    %get3A_2 = arith.constant 0 : index
    %get3A_3 = arith.constant 0 : index
    %get3A_4 = vector.load %arg1[%get3A, %get3A_2, %get3A_3] : memref<8x64x784xf32, #tpu.memory_space<vmem>>, vector<8x64x784xf32>
    %get3A_5 = arith.constant 0 : index
    %get3A_6 = arith.constant 0 : index
    %get3A_7 = vector.load %arg4[%get3A_5, %get3A_6] : memref<64x1xf32, #tpu.memory_space<vmem>>, vector<64x1xf32>
    %broadcast_in_dim3A = vector.shape_cast %get3A_7 : vector<64x1xf32> to vector<1x64x1xf32>
    %get3A_8 = arith.constant 0 : index
    %get3A_9 = arith.constant 0 : index
    %get3A_10 = vector.load %arg5[%get3A_8, %get3A_9] : memref<64x1xf32, #tpu.memory_space<vmem>>, vector<64x1xf32>
    %broadcast_in_dim3A_11 = vector.shape_cast %get3A_10 : vector<64x1xf32> to vector<1x64x1xf32>
    %mul3A = vector.broadcast %broadcast_in_dim3A : vector<1x64x1xf32> to vector<8x64x784xf32>
    %mul3A_12 = arith.mulf %get3A_4, %mul3A : vector<8x64x784xf32>
    %add3A = vector.broadcast %broadcast_in_dim3A_11 : vector<1x64x1xf32> to vector<8x64x784xf32>
    %add3A_13 = arith.addf %mul3A_12, %add3A : vector<8x64x784xf32>
    %max3A = arith.constant 0.000000e+00 : f32
    %max3A_14 = vector.broadcast %max3A : f32 to vector<8x64x784xf32>
    %max3A_15 = arith.maximumf %add3A_13, %max3A_14 : vector<8x64x784xf32>
    %iota3A = tpu.iota {dimensions = array<i32: 1>} : vector<1x784xi32>
    %jit3A = arith.constant 28 : i32
    %eq3A_16 = arith.constant 0 : i32
    %eq3A_17 = arith.cmpi eq, %jit3A, %eq3A_16 : i32
    %jit3A_18 = arith.constant 1 : i32
    %select_n3A = arith.select %eq3A_17, %jit3A_18, %jit3A : i32
    %rem3A = vector.broadcast %select_n3A : i32 to vector<1x784xi32>
    %rem3A_19 = arith.remsi %iota3A, %rem3A : vector<1x784xi32>
    %ne3A = arith.constant 0 : i32
    %ne3A_20 = vector.broadcast %ne3A : i32 to vector<1x784xi32>
    %ne3A_21 = arith.cmpi ne, %rem3A_19, %ne3A_20 : vector<1x784xi32>
    %lt3A = arith.constant 0 : i32
    %lt3A_22 = vector.broadcast %lt3A : i32 to vector<1x784xi32>
    %lt3A_23 = arith.cmpi slt, %rem3A_19, %lt3A_22 : vector<1x784xi32>
    %lt3A_24 = arith.constant 0 : i32
    %lt3A_25 = arith.cmpi slt, %select_n3A, %lt3A_24 : i32
    %ne3A_26 = vector.broadcast %lt3A_25 : i1 to vector<1x784xi1>
    %ne3A_27 = vector.broadcast %ne3A_26 : vector<1x784xi1> to vector<1x784xi1>
    %ne3A_28 = arith.xori %lt3A_23, %ne3A_27 : vector<1x784xi1>
    %and3A = arith.andi %ne3A_28, %ne3A_21 : vector<1x784xi1>
    %add3A_29 = vector.broadcast %select_n3A : i32 to vector<1x784xi32>
    %add3A_30 = arith.addi %rem3A_19, %add3A_29 : vector<1x784xi32>
    %select_n3A_31 = arith.select %and3A, %add3A_30, %rem3A_19 : vector<1x784xi1>, vector<1x784xi32>
    %eq3A_32 = arith.constant 27 : i32
    %eq3A_33 = vector.broadcast %eq3A_32 : i32 to vector<1x784xi32>
    %eq3A_34 = arith.cmpi eq, %select_n3A_31, %eq3A_33 : vector<1x784xi32>
    %jit3A_35 = arith.constant 0.000000e+00 : f32
    %jit3A_36 = arith.constant 1.000000e+00 : f32
    %broadcast_in_dim3A_37 = vector.broadcast %jit3A_35 : f32 to vector<1x784xf32>
    %broadcast_in_dim3A_38 = vector.broadcast %jit3A_36 : f32 to vector<1x784xf32>
    %select_n3A_39 = arith.select %eq3A_34, %broadcast_in_dim3A_37, %broadcast_in_dim3A_38 : vector<1x784xi1>, vector<1x784xf32>
    %eq3A_40 = arith.constant 0 : i32
    %eq3A_41 = vector.broadcast %eq3A_40 : i32 to vector<1x784xi32>
    %eq3A_42 = arith.cmpi eq, %select_n3A_31, %eq3A_41 : vector<1x784xi32>
    %jit3A_43 = arith.constant 0.000000e+00 : f32
    %jit3A_44 = arith.constant 1.000000e+00 : f32
    %broadcast_in_dim3A_45 = vector.broadcast %jit3A_43 : f32 to vector<1x784xf32>
    %broadcast_in_dim3A_46 = vector.broadcast %jit3A_44 : f32 to vector<1x784xf32>
    %select_n3A_47 = arith.select %eq3A_42, %broadcast_in_dim3A_45, %broadcast_in_dim3A_46 : vector<1x784xi1>, vector<1x784xf32>
    %slice3A = vector.extract_strided_slice %max3A_15 {offsets = [0, 0, 0], sizes = [1, 64, 784], strides = [1, 1, 1]} : vector<8x64x784xf32> to vector<1x64x784xf32>
    %squeeze3A = vector.shape_cast %slice3A : vector<1x64x784xf32> to vector<64x784xf32>
    %mul3A_48 = vector.broadcast %select_n3A_39 : vector<1x784xf32> to vector<64x784xf32>
    %mul3A_49 = arith.mulf %squeeze3A, %mul3A_48 : vector<64x784xf32>
    %swap3A = arith.constant 0 : index
    %swap3A_50 = arith.constant 0 : index
    %swap3A_51 = arith.constant 32 : index
    %swap3A_52 = vector.load %arg8[%swap3A, %swap3A_50, %swap3A_51] : memref<3x64x6784xf32, #tpu.memory_space<vmem>>, vector<1x64x784xf32>
    %swap3A_53 = vector.shape_cast %swap3A_52 : vector<1x64x784xf32> to vector<64x784xf32>
    %swap3A_54 = vector.shape_cast %mul3A_49 : vector<64x784xf32> to vector<1x64x784xf32>
    tpu.vector_store %arg8[%swap3A, %swap3A_50, %swap3A_51], %swap3A_54 {strides = array<i32>} : memref<3x64x6784xf32, #tpu.memory_space<vmem>>, vector<1x64x784xf32>,
    %swap3A_55 = arith.constant 1 : index
    %swap3A_56 = arith.constant 0 : index
    %swap3A_57 = arith.constant 32 : index
    %swap3A_58 = vector.load %arg8[%swap3A_55, %swap3A_56, %swap3A_57] : memref<3x64x6784xf32, #tpu.memory_space<vmem>>, vector<1x64x784xf32>
    %swap3A_59 = vector.shape_cast %swap3A_58 : vector<1x64x784xf32> to vector<64x784xf32>
    %swap3A_60 = vector.shape_cast %squeeze3A : vector<64x784xf32> to vector<1x64x784xf32>
    tpu.vector_store %arg8[%swap3A_55, %swap3A_56, %swap3A_57], %swap3A_60 {strides = array<i32>} : memref<3x64x6784xf32, #tpu.memory_space<vmem>>, vector<1x64x784xf32>,
    %mul3A_61 = vector.broadcast %select_n3A_47 : vector<1x784xf32> to vector<64x784xf32>
    %mul3A_62 = arith.mulf %squeeze3A, %mul3A_61 : vector<64x784xf32>
    %swap3A_63 = arith.constant 2 : index
    %swap3A_64 = arith.constant 0 : index
    %swap3A_65 = arith.constant 32 : index
    %swap3A_66 = vector.load %arg8[%swap3A_63, %swap3A_64, %swap3A_65] : memref<3x64x6784xf32, #tpu.memory_space<vmem>>, vector<1x64x784xf32>
    %swap3A_67 = vector.shape_cast %swap3A_66 : vector<1x64x784xf32> to vector<64x784xf32>
    %swap3A_68 = vector.shape_cast %mul3A_62 : vector<64x784xf32> to vector<1x64x784xf32>
    tpu.vector_store %arg8[%swap3A_63, %swap3A_64, %swap3A_65], %swap3A_68 {strides = array<i32>} : memref<3x64x6784xf32, #tpu.memory_space<vmem>>, vector<1x64x784xf32>,
    %slice3A_69 = vector.extract_strided_slice %max3A_15 {offsets = [1, 0, 0], sizes = [1, 64, 784], strides = [1, 1, 1]} : vector<8x64x784xf32> to vector<1x64x784xf32>
    %squeeze3A_70 = vector.shape_cast %slice3A_69 : vector<1x64x784xf32> to vector<64x784xf32>
    %mul3A_71 = vector.broadcast %select_n3A_39 : vector<1x784xf32> to vector<64x784xf32>
    %mul3A_72 = arith.mulf %squeeze3A_70, %mul3A_71 : vector<64x784xf32>
    %swap3A_73 = arith.constant 0 : index
    %swap3A_74 = arith.constant 0 : index
    %swap3A_75 = arith.constant 880 : index
    %swap3A_76 = vector.load %arg8[%swap3A_73, %swap3A_74, %swap3A_75] : memref<3x64x6784xf32, #tpu.memory_space<vmem>>, vector<1x64x784xf32>
    %swap3A_77 = vector.shape_cast %swap3A_76 : vector<1x64x784xf32> to vector<64x784xf32>
    %swap3A_78 = vector.shape_cast %mul3A_72 : vector<64x784xf32> to vector<1x64x784xf32>
    tpu.vector_store %arg8[%swap3A_73, %swap3A_74, %swap3A_75], %swap3A_78 {strides = array<i32>} : memref<3x64x6784xf32, #tpu.memory_space<vmem>>, vector<1x64x784xf32>,
    %swap3A_79 = arith.constant 1 : index
    %swap3A_80 = arith.constant 0 : index
    %swap3A_81 = arith.constant 880 : index
    %swap3A_82 = vector.load %arg8[%swap3A_79, %swap3A_80, %swap3A_81] : memref<3x64x6784xf32, #tpu.memory_space<vmem>>, vector<1x64x784xf32>
    %swap3A_83 = vector.shape_cast %swap3A_82 : vector<1x64x784xf32> to vector<64x784xf32>
    %swap3A_84 = vector.shape_cast %squeeze3A_70 : vector<64x784xf32> to vector<1x64x784xf32>
    tpu.vector_store %arg8[%swap3A_79, %swap3A_80, %swap3A_81], %swap3A_84 {strides = array<i32>} : memref<3x64x6784xf32, #tpu.memory_space<vmem>>, vector<1x64x784xf32>,
    %mul3A_85 = vector.broadcast %select_n3A_47 : vector<1x784xf32> to vector<64x784xf32>
    %mul3A_86 = arith.mulf %squeeze3A_70, %mul3A_85 : vector<64x784xf32>
    %swap3A_87 = arith.constant 2 : index
    %swap3A_88 = arith.constant 0 : index
    %swap3A_89 = arith.constant 880 : index
    %swap3A_90 = vector.load %arg8[%swap3A_87, %swap3A_88, %swap3A_89] : memref<3x64x6784xf32, #tpu.memory_space<vmem>>, vector<1x64x784xf32>
    %swap3A_91 = vector.shape_cast %swap3A_90 : vector<1x64x784xf32> to vector<64x784xf32>
    %swap3A_92 = vector.shape_cast %mul3A_86 : vector<64x784xf32> to vector<1x64x784xf32>
    tpu.vector_store %arg8[%swap3A_87, %swap3A_88, %swap3A_89], %swap3A_92 {strides = array<i32>} : memref<3x64x6784xf32, #tpu.memory_space<vmem>>, vector<1x64x784xf32>,
    %slice3A_93 = vector.extract_strided_slice %max3A_15 {offsets = [2, 0, 0], sizes = [1, 64, 784], strides = [1, 1, 1]} : vector<8x64x784xf32> to vector<1x64x784xf32>
    %squeeze3A_94 = vector.shape_cast %slice3A_93 : vector<1x64x784xf32> to vector<64x784xf32>
    %mul3A_95 = vector.broadcast %select_n3A_39 : vector<1x784xf32> to vector<64x784xf32>
    %mul3A_96 = arith.mulf %squeeze3A_94, %mul3A_95 : vector<64x784xf32>
    %swap3A_97 = arith.constant 0 : index
    %swap3A_98 = arith.constant 0 : index
    %swap3A_99 = arith.constant 1728 : index
    %swap3A_100 = vector.load %arg8[%swap3A_97, %swap3A_98, %swap3A_99] : memref<3x64x6784xf32, #tpu.memory_space<vmem>>, vector<1x64x784xf32>
    %swap3A_101 = vector.shape_cast %swap3A_100 : vector<1x64x784xf32> to vector<64x784xf32>
    %swap3A_102 = vector.shape_cast %mul3A_96 : vector<64x784xf32> to vector<1x64x784xf32>
    tpu.vector_store %arg8[%swap3A_97, %swap3A_98, %swap3A_99], %swap3A_102 {strides = array<i32>} : memref<3x64x6784xf32, #tpu.memory_space<vmem>>, vector<1x64x784xf32>,
    %swap3A_103 = arith.constant 1 : index
    %swap3A_104 = arith.constant 0 : index
    %swap3A_105 = arith.constant 1728 : index
    %swap3A_106 = vector.load %arg8[%swap3A_103, %swap3A_104, %swap3A_105] : memref<3x64x6784xf32, #tpu.memory_space<vmem>>, vector<1x64x784xf32>
    %swap3A_107 = vector.shape_cast %swap3A_106 : vector<1x64x784xf32> to vector<64x784xf32>
    %swap3A_108 = vector.shape_cast %squeeze3A_94 : vector<64x784xf32> to vector<1x64x784xf32>
    tpu.vector_store %arg8[%swap3A_103, %swap3A_104, %swap3A_105], %swap3A_108 {strides = array<i32>} : memref<3x64x6784xf32, #tpu.memory_space<vmem>>, vector<1x64x784xf32>,
    %mul3A_109 = vector.broadcast %select_n3A_47 : vector<1x784xf32> to vector<64x784xf32>
    %mul3A_110 = arith.mulf %squeeze3A_94, %mul3A_109 : vector<64x784xf32>
    %swap3A_111 = arith.constant 2 : index
    %swap3A_112 = arith.constant 0 : index
    %swap3A_113 = arith.constant 1728 : index
    %swap3A_114 = vector.load %arg8[%swap3A_111, %swap3A_112, %swap3A_113] : memref<3x64x6784xf32, #tpu.memory_space<vmem>>, vector<1x64x784xf32>
    %swap3A_115 = vector.shape_cast %swap3A_114 : vector<1x64x784xf32> to vector<64x784xf32>
    %swap3A_116 = vector.shape_cast %mul3A_110 : vector<64x784xf32> to vector<1x64x784xf32>
    tpu.vector_store %arg8[%swap3A_111, %swap3A_112, %swap3A_113], %swap3A_116 {strides = array<i32>} : memref<3x64x6784xf32, #tpu.memory_space<vmem>>, vector<1x64x784xf32>,
    %slice3A_117 = vector.extract_strided_slice %max3A_15 {offsets = [3, 0, 0], sizes = [1, 64, 784], strides = [1, 1, 1]} : vector<8x64x784xf32> to vector<1x64x784xf32>
    %squeeze3A_118 = vector.shape_cast %slice3A_117 : vector<1x64x784xf32> to vector<64x784xf32>
    %mul3A_119 = vector.broadcast %select_n3A_39 : vector<1x784xf32> to vector<64x784xf32>
    %mul3A_120 = arith.mulf %squeeze3A_118, %mul3A_119 : vector<64x784xf32>
    %swap3A_121 = arith.constant 0 : index
    %swap3A_122 = arith.constant 0 : index
    %swap3A_123 = arith.constant 2576 : index
    %swap3A_124 = vector.load %arg8[%swap3A_121, %swap3A_122, %swap3A_123] : memref<3x64x6784xf32, #tpu.memory_space<vmem>>, vector<1x64x784xf32>
    %swap3A_125 = vector.shape_cast %swap3A_124 : vector<1x64x784xf32> to vector<64x784xf32>
    %swap3A_126 = vector.shape_cast %mul3A_120 : vector<64x784xf32> to vector<1x64x784xf32>
    tpu.vector_store %arg8[%swap3A_121, %swap3A_122, %swap3A_123], %swap3A_126 {strides = array<i32>} : memref<3x64x6784xf32, #tpu.memory_space<vmem>>, vector<1x64x784xf32>,
    %swap3A_127 = arith.constant 1 : index
    %swap3A_128 = arith.constant 0 : index
    %swap3A_129 = arith.constant 2576 : index
    %swap3A_130 = vector.load %arg8[%swap3A_127, %swap3A_128, %swap3A_129] : memref<3x64x6784xf32, #tpu.memory_space<vmem>>, vector<1x64x784xf32>
    %swap3A_131 = vector.shape_cast %swap3A_130 : vector<1x64x784xf32> to vector<64x784xf32>
    %swap3A_132 = vector.shape_cast %squeeze3A_118 : vector<64x784xf32> to vector<1x64x784xf32>
    tpu.vector_store %arg8[%swap3A_127, %swap3A_128, %swap3A_129], %swap3A_132 {strides = array<i32>} : memref<3x64x6784xf32, #tpu.memory_space<vmem>>, vector<1x64x784xf32>,
    %mul3A_133 = vector.broadcast %select_n3A_47 : vector<1x784xf32> to vector<64x784xf32>
    %mul3A_134 = arith.mulf %squeeze3A_118, %mul3A_133 : vector<64x784xf32>
    %swap3A_135 = arith.constant 2 : index
    %swap3A_136 = arith.constant 0 : index
    %swap3A_137 = arith.constant 2576 : index
    %swap3A_138 = vector.load %arg8[%swap3A_135, %swap3A_136, %swap3A_137] : memref<3x64x6784xf32, #tpu.memory_space<vmem>>, vector<1x64x784xf32>
    %swap3A_139 = vector.shape_cast %swap3A_138 : vector<1x64x784xf32> to vector<64x784xf32>
    %swap3A_140 = vector.shape_cast %mul3A_134 : vector<64x784xf32> to vector<1x64x784xf32>
    tpu.vector_store %arg8[%swap3A_135, %swap3A_136, %swap3A_137], %swap3A_140 {strides = array<i32>} : memref<3x64x6784xf32, #tpu.memory_space<vmem>>, vector<1x64x784xf32>,
    %slice3A_141 = vector.extract_strided_slice %max3A_15 {offsets = [4, 0, 0], sizes = [1, 64, 784], strides = [1, 1, 1]} : vector<8x64x784xf32> to vector<1x64x784xf32>
    %squeeze3A_142 = vector.shape_cast %slice3A_141 : vector<1x64x784xf32> to vector<64x784xf32>
    %mul3A_143 = vector.broadcast %select_n3A_39 : vector<1x784xf32> to vector<64x784xf32>
    %mul3A_144 = arith.mulf %squeeze3A_142, %mul3A_143 : vector<64x784xf32>
    %swap3A_145 = arith.constant 0 : index
    %swap3A_146 = arith.constant 0 : index
    %swap3A_147 = arith.constant 3424 : index
    %swap3A_148 = vector.load %arg8[%swap3A_145, %swap3A_146, %swap3A_147] : memref<3x64x6784xf32, #tpu.memory_space<vmem>>, vector<1x64x784xf32>
    %swap3A_149 = vector.shape_cast %swap3A_148 : vector<1x64x784xf32> to vector<64x784xf32>
    %swap3A_150 = vector.shape_cast %mul3A_144 : vector<64x784xf32> to vector<1x64x784xf32>
    tpu.vector_store %arg8[%swap3A_145, %swap3A_146, %swap3A_147], %swap3A_150 {strides = array<i32>} : memref<3x64x6784xf32, #tpu.memory_space<vmem>>, vector<1x64x784xf32>,
    %swap3A_151 = arith.constant 1 : index
    %swap3A_152 = arith.constant 0 : index
    %swap3A_153 = arith.constant 3424 : index
    %swap3A_154 = vector.load %arg8[%swap3A_151, %swap3A_152, %swap3A_153] : memref<3x64x6784xf32, #tpu.memory_space<vmem>>, vector<1x64x784xf32>
    %swap3A_155 = vector.shape_cast %swap3A_154 : vector<1x64x784xf32> to vector<64x784xf32>
    %swap3A_156 = vector.shape_cast %squeeze3A_142 : vector<64x784xf32> to vector<1x64x784xf32>
    tpu.vector_store %arg8[%swap3A_151, %swap3A_152, %swap3A_153], %swap3A_156 {strides = array<i32>} : memref<3x64x6784xf32, #tpu.memory_space<vmem>>, vector<1x64x784xf32>,
    %mul3A_157 = vector.broadcast %select_n3A_47 : vector<1x784xf32> to vector<64x784xf32>
    %mul3A_158 = arith.mulf %squeeze3A_142, %mul3A_157 : vector<64x784xf32>
    %swap3A_159 = arith.constant 2 : index
    %swap3A_160 = arith.constant 0 : index
    %swap3A_161 = arith.constant 3424 : index
    %swap3A_162 = vector.load %arg8[%swap3A_159, %swap3A_160, %swap3A_161] : memref<3x64x6784xf32, #tpu.memory_space<vmem>>, vector<1x64x784xf32>
    %swap3A_163 = vector.shape_cast %swap3A_162 : vector<1x64x784xf32> to vector<64x784xf32>
    %swap3A_164 = vector.shape_cast %mul3A_158 : vector<64x784xf32> to vector<1x64x784xf32>
    tpu.vector_store %arg8[%swap3A_159, %swap3A_160, %swap3A_161], %swap3A_164 {strides = array<i32>} : memref<3x64x6784xf32, #tpu.memory_space<vmem>>, vector<1x64x784xf32>,
    %slice3A_165 = vector.extract_strided_slice %max3A_15 {offsets = [5, 0, 0], sizes = [1, 64, 784], strides = [1, 1, 1]} : vector<8x64x784xf32> to vector<1x64x784xf32>
    %squeeze3A_166 = vector.shape_cast %slice3A_165 : vector<1x64x784xf32> to vector<64x784xf32>
    %mul3A_167 = vector.broadcast %select_n3A_39 : vector<1x784xf32> to vector<64x784xf32>
    %mul3A_168 = arith.mulf %squeeze3A_166, %mul3A_167 : vector<64x784xf32>
    %swap3A_169 = arith.constant 0 : index
    %swap3A_170 = arith.constant 0 : index
    %swap3A_171 = arith.constant 4272 : index
    %swap3A_172 = vector.load %arg8[%swap3A_169, %swap3A_170, %swap3A_171] : memref<3x64x6784xf32, #tpu.memory_space<vmem>>, vector<1x64x784xf32>
    %swap3A_173 = vector.shape_cast %swap3A_172 : vector<1x64x784xf32> to vector<64x784xf32>
    %swap3A_174 = vector.shape_cast %mul3A_168 : vector<64x784xf32> to vector<1x64x784xf32>
    tpu.vector_store %arg8[%swap3A_169, %swap3A_170, %swap3A_171], %swap3A_174 {strides = array<i32>} : memref<3x64x6784xf32, #tpu.memory_space<vmem>>, vector<1x64x784xf32>,
    %swap3A_175 = arith.constant 1 : index
    %swap3A_176 = arith.constant 0 : index
    %swap3A_177 = arith.constant 4272 : index
    %swap3A_178 = vector.load %arg8[%swap3A_175, %swap3A_176, %swap3A_177] : memref<3x64x6784xf32, #tpu.memory_space<vmem>>, vector<1x64x784xf32>
    %swap3A_179 = vector.shape_cast %swap3A_178 : vector<1x64x784xf32> to vector<64x784xf32>
    %swap3A_180 = vector.shape_cast %squeeze3A_166 : vector<64x784xf32> to vector<1x64x784xf32>
    tpu.vector_store %arg8[%swap3A_175, %swap3A_176, %swap3A_177], %swap3A_180 {strides = array<i32>} : memref<3x64x6784xf32, #tpu.memory_space<vmem>>, vector<1x64x784xf32>,
    %mul3A_181 = vector.broadcast %select_n3A_47 : vector<1x784xf32> to vector<64x784xf32>
    %mul3A_182 = arith.mulf %squeeze3A_166, %mul3A_181 : vector<64x784xf32>
    %swap3A_183 = arith.constant 2 : index
    %swap3A_184 = arith.constant 0 : index
    %swap3A_185 = arith.constant 4272 : index
    %swap3A_186 = vector.load %arg8[%swap3A_183, %swap3A_184, %swap3A_185] : memref<3x64x6784xf32, #tpu.memory_space<vmem>>, vector<1x64x784xf32>
    %swap3A_187 = vector.shape_cast %swap3A_186 : vector<1x64x784xf32> to vector<64x784xf32>
    %swap3A_188 = vector.shape_cast %mul3A_182 : vector<64x784xf32> to vector<1x64x784xf32>
    tpu.vector_store %arg8[%swap3A_183, %swap3A_184, %swap3A_185], %swap3A_188 {strides = array<i32>} : memref<3x64x6784xf32, #tpu.memory_space<vmem>>, vector<1x64x784xf32>,
    %slice3A_189 = vector.extract_strided_slice %max3A_15 {offsets = [6, 0, 0], sizes = [1, 64, 784], strides = [1, 1, 1]} : vector<8x64x784xf32> to vector<1x64x784xf32>
    %squeeze3A_190 = vector.shape_cast %slice3A_189 : vector<1x64x784xf32> to vector<64x784xf32>
    %mul3A_191 = vector.broadcast %select_n3A_39 : vector<1x784xf32> to vector<64x784xf32>
    %mul3A_192 = arith.mulf %squeeze3A_190, %mul3A_191 : vector<64x784xf32>
    %swap3A_193 = arith.constant 0 : index
    %swap3A_194 = arith.constant 0 : index
    %swap3A_195 = arith.constant 5120 : index
    %swap3A_196 = vector.load %arg8[%swap3A_193, %swap3A_194, %swap3A_195] : memref<3x64x6784xf32, #tpu.memory_space<vmem>>, vector<1x64x784xf32>
    %swap3A_197 = vector.shape_cast %swap3A_196 : vector<1x64x784xf32> to vector<64x784xf32>
    %swap3A_198 = vector.shape_cast %mul3A_192 : vector<64x784xf32> to vector<1x64x784xf32>
    tpu.vector_store %arg8[%swap3A_193, %swap3A_194, %swap3A_195], %swap3A_198 {strides = array<i32>} : memref<3x64x6784xf32, #tpu.memory_space<vmem>>, vector<1x64x784xf32>,
    %swap3A_199 = arith.constant 1 : index
    %swap3A_200 = arith.constant 0 : index
    %swap3A_201 = arith.constant 5120 : index
    %swap3A_202 = vector.load %arg8[%swap3A_199, %swap3A_200, %swap3A_201] : memref<3x64x6784xf32, #tpu.memory_space<vmem>>, vector<1x64x784xf32>
    %swap3A_203 = vector.shape_cast %swap3A_202 : vector<1x64x784xf32> to vector<64x784xf32>
    %swap3A_204 = vector.shape_cast %squeeze3A_190 : vector<64x784xf32> to vector<1x64x784xf32>
    tpu.vector_store %arg8[%swap3A_199, %swap3A_200, %swap3A_201], %swap3A_204 {strides = array<i32>} : memref<3x64x6784xf32, #tpu.memory_space<vmem>>, vector<1x64x784xf32>,
    %mul3A_205 = vector.broadcast %select_n3A_47 : vector<1x784xf32> to vector<64x784xf32>
    %mul3A_206 = arith.mulf %squeeze3A_190, %mul3A_205 : vector<64x784xf32>
    %swap3A_207 = arith.constant 2 : index
    %swap3A_208 = arith.constant 0 : index
    %swap3A_209 = arith.constant 5120 : index
    %swap3A_210 = vector.load %arg8[%swap3A_207, %swap3A_208, %swap3A_209] : memref<3x64x6784xf32, #tpu.memory_space<vmem>>, vector<1x64x784xf32>
    %swap3A_211 = vector.shape_cast %swap3A_210 : vector<1x64x784xf32> to vector<64x784xf32>
    %swap3A_212 = vector.shape_cast %mul3A_206 : vector<64x784xf32> to vector<1x64x784xf32>
    tpu.vector_store %arg8[%swap3A_207, %swap3A_208, %swap3A_209], %swap3A_212 {strides = array<i32>} : memref<3x64x6784xf32, #tpu.memory_space<vmem>>, vector<1x64x784xf32>,
    %slice3A_213 = vector.extract_strided_slice %max3A_15 {offsets = [7, 0, 0], sizes = [1, 64, 784], strides = [1, 1, 1]} : vector<8x64x784xf32> to vector<1x64x784xf32>
    %squeeze3A_214 = vector.shape_cast %slice3A_213 : vector<1x64x784xf32> to vector<64x784xf32>
    %mul3A_215 = vector.broadcast %select_n3A_39 : vector<1x784xf32> to vector<64x784xf32>
    %mul3A_216 = arith.mulf %squeeze3A_214, %mul3A_215 : vector<64x784xf32>
    %swap3A_217 = arith.constant 0 : index
    %swap3A_218 = arith.constant 0 : index
    %swap3A_219 = arith.constant 5968 : index
    %swap3A_220 = vector.load %arg8[%swap3A_217, %swap3A_218, %swap3A_219] : memref<3x64x6784xf32, #tpu.memory_space<vmem>>, vector<1x64x784xf32>
    %swap3A_221 = vector.shape_cast %swap3A_220 : vector<1x64x784xf32> to vector<64x784xf32>
    %swap3A_222 = vector.shape_cast %mul3A_216 : vector<64x784xf32> to vector<1x64x784xf32>
    tpu.vector_store %arg8[%swap3A_217, %swap3A_218, %swap3A_219], %swap3A_222 {strides = array<i32>} : memref<3x64x6784xf32, #tpu.memory_space<vmem>>, vector<1x64x784xf32>,
    %swap3A_223 = arith.constant 1 : index
    %swap3A_224 = arith.constant 0 : index
    %swap3A_225 = arith.constant 5968 : index
    %swap3A_226 = vector.load %arg8[%swap3A_223, %swap3A_224, %swap3A_225] : memref<3x64x6784xf32, #tpu.memory_space<vmem>>, vector<1x64x784xf32>
    %swap3A_227 = vector.shape_cast %swap3A_226 : vector<1x64x784xf32> to vector<64x784xf32>
    %swap3A_228 = vector.shape_cast %squeeze3A_214 : vector<64x784xf32> to vector<1x64x784xf32>
    tpu.vector_store %arg8[%swap3A_223, %swap3A_224, %swap3A_225], %swap3A_228 {strides = array<i32>} : memref<3x64x6784xf32, #tpu.memory_space<vmem>>, vector<1x64x784xf32>,
    %mul3A_229 = vector.broadcast %select_n3A_47 : vector<1x784xf32> to vector<64x784xf32>
    %mul3A_230 = arith.mulf %squeeze3A_214, %mul3A_229 : vector<64x784xf32>
    %swap3A_231 = arith.constant 2 : index
    %swap3A_232 = arith.constant 0 : index
    %swap3A_233 = arith.constant 5968 : index
    %swap3A_234 = vector.load %arg8[%swap3A_231, %swap3A_232, %swap3A_233] : memref<3x64x6784xf32, #tpu.memory_space<vmem>>, vector<1x64x784xf32>
    %swap3A_235 = vector.shape_cast %swap3A_234 : vector<1x64x784xf32> to vector<64x784xf32>
    %swap3A_236 = vector.shape_cast %mul3A_230 : vector<64x784xf32> to vector<1x64x784xf32>
    tpu.vector_store %arg8[%swap3A_231, %swap3A_232, %swap3A_233], %swap3A_236 {strides = array<i32>} : memref<3x64x6784xf32, #tpu.memory_space<vmem>>, vector<1x64x784xf32>,
    %get3A_237 = arith.constant 0 : index
    %get3A_238 = arith.constant 0 : index
    %get3A_239 = arith.constant 3 : index
    %get3A_240 = vector.load %arg8[%get3A_237, %get3A_238, %get3A_239] : memref<3x64x6784xf32, #tpu.memory_space<vmem>>, vector<1x64x6720xf32>
    %get3A_241 = vector.shape_cast %get3A_240 : vector<1x64x6720xf32> to vector<64x6720xf32>
    %get3A_242 = arith.constant 0 : index
    %get3A_243 = arith.constant 0 : index
    %get3A_244 = arith.constant 0 : index
    %get3A_245 = vector.load %arg2[%get3A_242, %get3A_243, %get3A_244] : memref<9x64x64xf32, #tpu.memory_space<vmem>>, vector<1x64x64xf32>
    %get3A_246 = vector.shape_cast %get3A_245 : vector<1x64x64xf32> to vector<64x64xf32>
    %dot_general3A = arith.constant dense<0.000000e+00> : vector<64x6720xf32>
    %dot_general3A_247 = tpu.matmul %get3A_246, %get3A_241, %dot_general3A {dimension_numbers = #tpu.dot_dimension_numbers<[1], [0], [0], [1], [0, 0, 1, 1], [], []>, transpose_lhs_hint = false} : vector<64x64xf32>, vector<64x6720xf32>, vector<64x6720xf32> -> vector<64x6720xf32>
    %get3A_248 = arith.constant 1 : index
    %get3A_249 = arith.constant 0 : index
    %get3A_250 = arith.constant 4 : index
    %get3A_251 = vector.load %arg8[%get3A_248, %get3A_249, %get3A_250] : memref<3x64x6784xf32, #tpu.memory_space<vmem>>, vector<1x64x6720xf32>
    %get3A_252 = vector.shape_cast %get3A_251 : vector<1x64x6720xf32> to vector<64x6720xf32>
    %get3A_253 = arith.constant 1 : index
    %get3A_254 = arith.constant 0 : index
    %get3A_255 = arith.constant 0 : index
    %get3A_256 = vector.load %arg2[%get3A_253, %get3A_254, %get3A_255] : memref<9x64x64xf32, #tpu.memory_space<vmem>>, vector<1x64x64xf32>
    %get3A_257 = vector.shape_cast %get3A_256 : vector<1x64x64xf32> to vector<64x64xf32>
    %dot_general3A_258 = arith.constant dense<0.000000e+00> : vector<64x6720xf32>
    %dot_general3A_259 = tpu.matmul %get3A_257, %get3A_252, %dot_general3A_258 {dimension_numbers = #tpu.dot_dimension_numbers<[1], [0], [0], [1], [0, 0, 1, 1], [], []>, transpose_lhs_hint = false} : vector<64x64xf32>, vector<64x6720xf32>, vector<64x6720xf32> -> vector<64x6720xf32>
    %add3A_260 = arith.addf %dot_general3A_247, %dot_general3A_259 : vector<64x6720xf32>
    %get3A_261 = arith.constant 2 : index
    %get3A_262 = arith.constant 0 : index
    %get3A_263 = arith.constant 5 : index
    %get3A_264 = vector.load %arg8[%get3A_261, %get3A_262, %get3A_263] : memref<3x64x6784xf32, #tpu.memory_space<vmem>>, vector<1x64x6720xf32>
    %get3A_265 = vector.shape_cast %get3A_264 : vector<1x64x6720xf32> to vector<64x6720xf32>
    %get3A_266 = arith.constant 2 : index
    %get3A_267 = arith.constant 0 : index
    %get3A_268 = arith.constant 0 : index
    %get3A_269 = vector.load %arg2[%get3A_266, %get3A_267, %get3A_268] : memref<9x64x64xf32, #tpu.memory_space<vmem>>, vector<1x64x64xf32>
    %get3A_270 = vector.shape_cast %get3A_269 : vector<1x64x64xf32> to vector<64x64xf32>
    %dot_general3A_271 = arith.constant dense<0.000000e+00> : vector<64x6720xf32>
    %dot_general3A_272 = tpu.matmul %get3A_270, %get3A_265, %dot_general3A_271 {dimension_numbers = #tpu.dot_dimension_numbers<[1], [0], [0], [1], [0, 0, 1, 1], [], []>, transpose_lhs_hint = false} : vector<64x64xf32>, vector<64x6720xf32>, vector<64x6720xf32> -> vector<64x6720xf32>
    %add3A_273 = arith.addf %add3A_260, %dot_general3A_272 : vector<64x6720xf32>
    %get3A_274 = arith.constant 0 : index
    %get3A_275 = arith.constant 0 : index
    %get3A_276 = arith.constant 31 : index
    %get3A_277 = vector.load %arg8[%get3A_274, %get3A_275, %get3A_276] : memref<3x64x6784xf32, #tpu.memory_space<vmem>>, vector<1x64x6720xf32>
    %get3A_278 = vector.shape_cast %get3A_277 : vector<1x64x6720xf32> to vector<64x6720xf32>
    %get3A_279 = arith.constant 3 : index
    %get3A_280 = arith.constant 0 : index
    %get3A_281 = arith.constant 0 : index
    %get3A_282 = vector.load %arg2[%get3A_279, %get3A_280, %get3A_281] : memref<9x64x64xf32, #tpu.memory_space<vmem>>, vector<1x64x64xf32>
    %get3A_283 = vector.shape_cast %get3A_282 : vector<1x64x64xf32> to vector<64x64xf32>
    %dot_general3A_284 = arith.constant dense<0.000000e+00> : vector<64x6720xf32>
    %dot_general3A_285 = tpu.matmul %get3A_283, %get3A_278, %dot_general3A_284 {dimension_numbers = #tpu.dot_dimension_numbers<[1], [0], [0], [1], [0, 0, 1, 1], [], []>, transpose_lhs_hint = false} : vector<64x64xf32>, vector<64x6720xf32>, vector<64x6720xf32> -> vector<64x6720xf32>
    %add3A_286 = arith.addf %add3A_273, %dot_general3A_285 : vector<64x6720xf32>
    %get3A_287 = arith.constant 1 : index
    %get3A_288 = arith.constant 0 : index
    %get3A_289 = arith.constant 32 : index
    %get3A_290 = vector.load %arg8[%get3A_287, %get3A_288, %get3A_289] : memref<3x64x6784xf32, #tpu.memory_space<vmem>>, vector<1x64x6720xf32>
    %get3A_291 = vector.shape_cast %get3A_290 : vector<1x64x6720xf32> to vector<64x6720xf32>
    %get3A_292 = arith.constant 4 : index
    %get3A_293 = arith.constant 0 : index
    %get3A_294 = arith.constant 0 : index
    %get3A_295 = vector.load %arg2[%get3A_292, %get3A_293, %get3A_294] : memref<9x64x64xf32, #tpu.memory_space<vmem>>, vector<1x64x64xf32>
    %get3A_296 = vector.shape_cast %get3A_295 : vector<1x64x64xf32> to vector<64x64xf32>
    %dot_general3A_297 = arith.constant dense<0.000000e+00> : vector<64x6720xf32>
    %dot_general3A_298 = tpu.matmul %get3A_296, %get3A_291, %dot_general3A_297 {dimension_numbers = #tpu.dot_dimension_numbers<[1], [0], [0], [1], [0, 0, 1, 1], [], []>, transpose_lhs_hint = false} : vector<64x64xf32>, vector<64x6720xf32>, vector<64x6720xf32> -> vector<64x6720xf32>
    %add3A_299 = arith.addf %add3A_286, %dot_general3A_298 : vector<64x6720xf32>
    %get3A_300 = arith.constant 2 : index
    %get3A_301 = arith.constant 0 : index
    %get3A_302 = arith.constant 33 : index
    %get3A_303 = vector.load %arg8[%get3A_300, %get3A_301, %get3A_302] : memref<3x64x6784xf32, #tpu.memory_space<vmem>>, vector<1x64x6720xf32>
    %get3A_304 = vector.shape_cast %get3A_303 : vector<1x64x6720xf32> to vector<64x6720xf32>
    %get3A_305 = arith.constant 5 : index
    %get3A_306 = arith.constant 0 : index
    %get3A_307 = arith.constant 0 : index
    %get3A_308 = vector.load %arg2[%get3A_305, %get3A_306, %get3A_307] : memref<9x64x64xf32, #tpu.memory_space<vmem>>, vector<1x64x64xf32>
    %get3A_309 = vector.shape_cast %get3A_308 : vector<1x64x64xf32> to vector<64x64xf32>
    %dot_general3A_310 = arith.constant dense<0.000000e+00> : vector<64x6720xf32>
    %dot_general3A_311 = tpu.matmul %get3A_309, %get3A_304, %dot_general3A_310 {dimension_numbers = #tpu.dot_dimension_numbers<[1], [0], [0], [1], [0, 0, 1, 1], [], []>, transpose_lhs_hint = false} : vector<64x64xf32>, vector<64x6720xf32>, vector<64x6720xf32> -> vector<64x6720xf32>
    %add3A_312 = arith.addf %add3A_299, %dot_general3A_311 : vector<64x6720xf32>
    %get3A_313 = arith.constant 0 : index
    %get3A_314 = arith.constant 0 : index
    %get3A_315 = arith.constant 59 : index
    %get3A_316 = vector.load %arg8[%get3A_313, %get3A_314, %get3A_315] : memref<3x64x6784xf32, #tpu.memory_space<vmem>>, vector<1x64x6720xf32>
    %get3A_317 = vector.shape_cast %get3A_316 : vector<1x64x6720xf32> to vector<64x6720xf32>
    %get3A_318 = arith.constant 6 : index
    %get3A_319 = arith.constant 0 : index
    %get3A_320 = arith.constant 0 : index
    %get3A_321 = vector.load %arg2[%get3A_318, %get3A_319, %get3A_320] : memref<9x64x64xf32, #tpu.memory_space<vmem>>, vector<1x64x64xf32>
    %get3A_322 = vector.shape_cast %get3A_321 : vector<1x64x64xf32> to vector<64x64xf32>
    %dot_general3A_323 = arith.constant dense<0.000000e+00> : vector<64x6720xf32>
    %dot_general3A_324 = tpu.matmul %get3A_322, %get3A_317, %dot_general3A_323 {dimension_numbers = #tpu.dot_dimension_numbers<[1], [0], [0], [1], [0, 0, 1, 1], [], []>, transpose_lhs_hint = false} : vector<64x64xf32>, vector<64x6720xf32>, vector<64x6720xf32> -> vector<64x6720xf32>
    %add3A_325 = arith.addf %add3A_312, %dot_general3A_324 : vector<64x6720xf32>
    %get3A_326 = arith.constant 1 : index
    %get3A_327 = arith.constant 0 : index
    %get3A_328 = arith.constant 60 : index
    %get3A_329 = vector.load %arg8[%get3A_326, %get3A_327, %get3A_328] : memref<3x64x6784xf32, #tpu.memory_space<vmem>>, vector<1x64x6720xf32>
    %get3A_330 = vector.shape_cast %get3A_329 : vector<1x64x6720xf32> to vector<64x6720xf32>
    %get3A_331 = arith.constant 7 : index
    %get3A_332 = arith.constant 0 : index
    %get3A_333 = arith.constant 0 : index
    %get3A_334 = vector.load %arg2[%get3A_331, %get3A_332, %get3A_333] : memref<9x64x64xf32, #tpu.memory_space<vmem>>, vector<1x64x64xf32>
    %get3A_335 = vector.shape_cast %get3A_334 : vector<1x64x64xf32> to vector<64x64xf32>
    %dot_general3A_336 = arith.constant dense<0.000000e+00> : vector<64x6720xf32>
    %dot_general3A_337 = tpu.matmul %get3A_335, %get3A_330, %dot_general3A_336 {dimension_numbers = #tpu.dot_dimension_numbers<[1], [0], [0], [1], [0, 0, 1, 1], [], []>, transpose_lhs_hint = false} : vector<64x64xf32>, vector<64x6720xf32>, vector<64x6720xf32> -> vector<64x6720xf32>
    %add3A_338 = arith.addf %add3A_325, %dot_general3A_337 : vector<64x6720xf32>
    %get3A_339 = arith.constant 2 : index
    %get3A_340 = arith.constant 0 : index
    %get3A_341 = arith.constant 61 : index
    %get3A_342 = vector.load %arg8[%get3A_339, %get3A_340, %get3A_341] : memref<3x64x6784xf32, #tpu.memory_space<vmem>>, vector<1x64x6720xf32>
    %get3A_343 = vector.shape_cast %get3A_342 : vector<1x64x6720xf32> to vector<64x6720xf32>
    %get3A_344 = arith.constant 8 : index
    %get3A_345 = arith.constant 0 : index
    %get3A_346 = arith.constant 0 : index
    %get3A_347 = vector.load %arg2[%get3A_344, %get3A_345, %get3A_346] : memref<9x64x64xf32, #tpu.memory_space<vmem>>, vector<1x64x64xf32>
    %get3A_348 = vector.shape_cast %get3A_347 : vector<1x64x64xf32> to vector<64x64xf32>
    %dot_general3A_349 = arith.constant dense<0.000000e+00> : vector<64x6720xf32>
    %dot_general3A_350 = tpu.matmul %get3A_348, %get3A_343, %dot_general3A_349 {dimension_numbers = #tpu.dot_dimension_numbers<[1], [0], [0], [1], [0, 0, 1, 1], [], []>, transpose_lhs_hint = false} : vector<64x64xf32>, vector<64x6720xf32>, vector<64x6720xf32> -> vector<64x6720xf32>
    %add3A_351 = arith.addf %add3A_338, %dot_general3A_350 : vector<64x6720xf32>
    %get3A_352 = arith.constant 0 : index
    %get3A_353 = arith.constant 0 : index
    %get3A_354 = vector.load %arg3[%get3A_352, %get3A_353] : memref<64x1xf32, #tpu.memory_space<vmem>>, vector<64x1xf32>
    %add3A_355 = vector.broadcast %get3A_354 : vector<64x1xf32> to vector<64x6720xf32>
    %add3A_356 = arith.addf %add3A_351, %add3A_355 : vector<64x6720xf32>
    %slice3A_357 = vector.extract_strided_slice %add3A_356 {offsets = [0, 0], sizes = [64, 784], strides = [1, 1]} : vector<64x6720xf32> to vector<64x784xf32>
    %swap3A_358 = arith.constant 0 : index
    %swap3A_359 = arith.constant 0 : index
    %swap3A_360 = arith.constant 0 : index
    %swap3A_361 = vector.load %arg6[%swap3A_358, %swap3A_359, %swap3A_360] : memref<8x64x784xf32, #tpu.memory_space<vmem>>, vector<1x64x784xf32>
    %swap3A_362 = vector.shape_cast %swap3A_361 : vector<1x64x784xf32> to vector<64x784xf32>
    %swap3A_363 = vector.shape_cast %slice3A_357 : vector<64x784xf32> to vector<1x64x784xf32>
    tpu.vector_store %arg6[%swap3A_358, %swap3A_359, %swap3A_360], %swap3A_363 {strides = array<i32>} : memref<8x64x784xf32, #tpu.memory_space<vmem>>, vector<1x64x784xf32>,
    %reduce_sum3A = arith.constant dense<0.000000e+00> : vector<64xf32>
    %reduce_sum3A_364 = vector.multi_reduction <add>, %slice3A_357, %reduce_sum3A [1] : vector<64x784xf32> to vector<64xf32>
    %mul3A_365 = arith.mulf %slice3A_357, %slice3A_357 : vector<64x784xf32>
    %reduce_sum3A_366 = arith.constant dense<0.000000e+00> : vector<64xf32>
    %reduce_sum3A_367 = vector.multi_reduction <add>, %mul3A_365, %reduce_sum3A_366 [1] : vector<64x784xf32> to vector<64xf32>
    %slice3A_368 = vector.extract_strided_slice %add3A_356 {offsets = [0, 848], sizes = [64, 784], strides = [1, 1]} : vector<64x6720xf32> to vector<64x784xf32>
    %swap3A_369 = arith.constant 1 : index
    %swap3A_370 = arith.constant 0 : index
    %swap3A_371 = arith.constant 0 : index
    %swap3A_372 = vector.load %arg6[%swap3A_369, %swap3A_370, %swap3A_371] : memref<8x64x784xf32, #tpu.memory_space<vmem>>, vector<1x64x784xf32>
    %swap3A_373 = vector.shape_cast %swap3A_372 : vector<1x64x784xf32> to vector<64x784xf32>
    %swap3A_374 = vector.shape_cast %slice3A_368 : vector<64x784xf32> to vector<1x64x784xf32>
    tpu.vector_store %arg6[%swap3A_369, %swap3A_370, %swap3A_371], %swap3A_374 {strides = array<i32>} : memref<8x64x784xf32, #tpu.memory_space<vmem>>, vector<1x64x784xf32>,
    %reduce_sum3A_375 = arith.constant dense<0.000000e+00> : vector<64xf32>
    %reduce_sum3A_376 = vector.multi_reduction <add>, %slice3A_368, %reduce_sum3A_375 [1] : vector<64x784xf32> to vector<64xf32>
    %mul3A_377 = arith.mulf %slice3A_368, %slice3A_368 : vector<64x784xf32>
    %reduce_sum3A_378 = arith.constant dense<0.000000e+00> : vector<64xf32>
    %reduce_sum3A_379 = vector.multi_reduction <add>, %mul3A_377, %reduce_sum3A_378 [1] : vector<64x784xf32> to vector<64xf32>
    %add3A_380 = arith.addf %reduce_sum3A_364, %reduce_sum3A_376 : vector<64xf32>
    %add3A_381 = arith.addf %reduce_sum3A_367, %reduce_sum3A_379 : vector<64xf32>
    %slice3A_382 = vector.extract_strided_slice %add3A_356 {offsets = [0, 1696], sizes = [64, 784], strides = [1, 1]} : vector<64x6720xf32> to vector<64x784xf32>
    %swap3A_383 = arith.constant 2 : index
    %swap3A_384 = arith.constant 0 : index
    %swap3A_385 = arith.constant 0 : index
    %swap3A_386 = vector.load %arg6[%swap3A_383, %swap3A_384, %swap3A_385] : memref<8x64x784xf32, #tpu.memory_space<vmem>>, vector<1x64x784xf32>
    %swap3A_387 = vector.shape_cast %swap3A_386 : vector<1x64x784xf32> to vector<64x784xf32>
    %swap3A_388 = vector.shape_cast %slice3A_382 : vector<64x784xf32> to vector<1x64x784xf32>
    tpu.vector_store %arg6[%swap3A_383, %swap3A_384, %swap3A_385], %swap3A_388 {strides = array<i32>} : memref<8x64x784xf32, #tpu.memory_space<vmem>>, vector<1x64x784xf32>,
    %reduce_sum3A_389 = arith.constant dense<0.000000e+00> : vector<64xf32>
    %reduce_sum3A_390 = vector.multi_reduction <add>, %slice3A_382, %reduce_sum3A_389 [1] : vector<64x784xf32> to vector<64xf32>
    %mul3A_391 = arith.mulf %slice3A_382, %slice3A_382 : vector<64x784xf32>
    %reduce_sum3A_392 = arith.constant dense<0.000000e+00> : vector<64xf32>
    %reduce_sum3A_393 = vector.multi_reduction <add>, %mul3A_391, %reduce_sum3A_392 [1] : vector<64x784xf32> to vector<64xf32>
    %add3A_394 = arith.addf %add3A_380, %reduce_sum3A_390 : vector<64xf32>
    %add3A_395 = arith.addf %add3A_381, %reduce_sum3A_393 : vector<64xf32>
    %slice3A_396 = vector.extract_strided_slice %add3A_356 {offsets = [0, 2544], sizes = [64, 784], strides = [1, 1]} : vector<64x6720xf32> to vector<64x784xf32>
    %swap3A_397 = arith.constant 3 : index
    %swap3A_398 = arith.constant 0 : index
    %swap3A_399 = arith.constant 0 : index
    %swap3A_400 = vector.load %arg6[%swap3A_397, %swap3A_398, %swap3A_399] : memref<8x64x784xf32, #tpu.memory_space<vmem>>, vector<1x64x784xf32>
    %swap3A_401 = vector.shape_cast %swap3A_400 : vector<1x64x784xf32> to vector<64x784xf32>
    %swap3A_402 = vector.shape_cast %slice3A_396 : vector<64x784xf32> to vector<1x64x784xf32>
    tpu.vector_store %arg6[%swap3A_397, %swap3A_398, %swap3A_399], %swap3A_402 {strides = array<i32>} : memref<8x64x784xf32, #tpu.memory_space<vmem>>, vector<1x64x784xf32>,
    %reduce_sum3A_403 = arith.constant dense<0.000000e+00> : vector<64xf32>
    %reduce_sum3A_404 = vector.multi_reduction <add>, %slice3A_396, %reduce_sum3A_403 [1] : vector<64x784xf32> to vector<64xf32>
    %mul3A_405 = arith.mulf %slice3A_396, %slice3A_396 : vector<64x784xf32>
    %reduce_sum3A_406 = arith.constant dense<0.000000e+00> : vector<64xf32>
    %reduce_sum3A_407 = vector.multi_reduction <add>, %mul3A_405, %reduce_sum3A_406 [1] : vector<64x784xf32> to vector<64xf32>
    %add3A_408 = arith.addf %add3A_394, %reduce_sum3A_404 : vector<64xf32>
    %add3A_409 = arith.addf %add3A_395, %reduce_sum3A_407 : vector<64xf32>
    %slice3A_410 = vector.extract_strided_slice %add3A_356 {offsets = [0, 3392], sizes = [64, 784], strides = [1, 1]} : vector<64x6720xf32> to vector<64x784xf32>
    %swap3A_411 = arith.constant 4 : index
    %swap3A_412 = arith.constant 0 : index
    %swap3A_413 = arith.constant 0 : index
    %swap3A_414 = vector.load %arg6[%swap3A_411, %swap3A_412, %swap3A_413] : memref<8x64x784xf32, #tpu.memory_space<vmem>>, vector<1x64x784xf32>
    %swap3A_415 = vector.shape_cast %swap3A_414 : vector<1x64x784xf32> to vector<64x784xf32>
    %swap3A_416 = vector.shape_cast %slice3A_410 : vector<64x784xf32> to vector<1x64x784xf32>
    tpu.vector_store %arg6[%swap3A_411, %swap3A_412, %swap3A_413], %swap3A_416 {strides = array<i32>} : memref<8x64x784xf32, #tpu.memory_space<vmem>>, vector<1x64x784xf32>,
    %reduce_sum3A_417 = arith.constant dense<0.000000e+00> : vector<64xf32>
    %reduce_sum3A_418 = vector.multi_reduction <add>, %slice3A_410, %reduce_sum3A_417 [1] : vector<64x784xf32> to vector<64xf32>
    %mul3A_419 = arith.mulf %slice3A_410, %slice3A_410 : vector<64x784xf32>
    %reduce_sum3A_420 = arith.constant dense<0.000000e+00> : vector<64xf32>
    %reduce_sum3A_421 = vector.multi_reduction <add>, %mul3A_419, %reduce_sum3A_420 [1] : vector<64x784xf32> to vector<64xf32>
    %add3A_422 = arith.addf %add3A_408, %reduce_sum3A_418 : vector<64xf32>
    %add3A_423 = arith.addf %add3A_409, %reduce_sum3A_421 : vector<64xf32>
    %slice3A_424 = vector.extract_strided_slice %add3A_356 {offsets = [0, 4240], sizes = [64, 784], strides = [1, 1]} : vector<64x6720xf32> to vector<64x784xf32>
    %swap3A_425 = arith.constant 5 : index
    %swap3A_426 = arith.constant 0 : index
    %swap3A_427 = arith.constant 0 : index
    %swap3A_428 = vector.load %arg6[%swap3A_425, %swap3A_426, %swap3A_427] : memref<8x64x784xf32, #tpu.memory_space<vmem>>, vector<1x64x784xf32>
    %swap3A_429 = vector.shape_cast %swap3A_428 : vector<1x64x784xf32> to vector<64x784xf32>
    %swap3A_430 = vector.shape_cast %slice3A_424 : vector<64x784xf32> to vector<1x64x784xf32>
    tpu.vector_store %arg6[%swap3A_425, %swap3A_426, %swap3A_427], %swap3A_430 {strides = array<i32>} : memref<8x64x784xf32, #tpu.memory_space<vmem>>, vector<1x64x784xf32>,
    %reduce_sum3A_431 = arith.constant dense<0.000000e+00> : vector<64xf32>
    %reduce_sum3A_432 = vector.multi_reduction <add>, %slice3A_424, %reduce_sum3A_431 [1] : vector<64x784xf32> to vector<64xf32>
    %mul3A_433 = arith.mulf %slice3A_424, %slice3A_424 : vector<64x784xf32>
    %reduce_sum3A_434 = arith.constant dense<0.000000e+00> : vector<64xf32>
    %reduce_sum3A_435 = vector.multi_reduction <add>, %mul3A_433, %reduce_sum3A_434 [1] : vector<64x784xf32> to vector<64xf32>
    %add3A_436 = arith.addf %add3A_422, %reduce_sum3A_432 : vector<64xf32>
    %add3A_437 = arith.addf %add3A_423, %reduce_sum3A_435 : vector<64xf32>
    %slice3A_438 = vector.extract_strided_slice %add3A_356 {offsets = [0, 5088], sizes = [64, 784], strides = [1, 1]} : vector<64x6720xf32> to vector<64x784xf32>
    %swap3A_439 = arith.constant 6 : index
    %swap3A_440 = arith.constant 0 : index
    %swap3A_441 = arith.constant 0 : index
    %swap3A_442 = vector.load %arg6[%swap3A_439, %swap3A_440, %swap3A_441] : memref<8x64x784xf32, #tpu.memory_space<vmem>>, vector<1x64x784xf32>
    %swap3A_443 = vector.shape_cast %swap3A_442 : vector<1x64x784xf32> to vector<64x784xf32>
    %swap3A_444 = vector.shape_cast %slice3A_438 : vector<64x784xf32> to vector<1x64x784xf32>
    tpu.vector_store %arg6[%swap3A_439, %swap3A_440, %swap3A_441], %swap3A_444 {strides = array<i32>} : memref<8x64x784xf32, #tpu.memory_space<vmem>>, vector<1x64x784xf32>,
    %reduce_sum3A_445 = arith.constant dense<0.000000e+00> : vector<64xf32>
    %reduce_sum3A_446 = vector.multi_reduction <add>, %slice3A_438, %reduce_sum3A_445 [1] : vector<64x784xf32> to vector<64xf32>
    %mul3A_447 = arith.mulf %slice3A_438, %slice3A_438 : vector<64x784xf32>
    %reduce_sum3A_448 = arith.constant dense<0.000000e+00> : vector<64xf32>
    %reduce_sum3A_449 = vector.multi_reduction <add>, %mul3A_447, %reduce_sum3A_448 [1] : vector<64x784xf32> to vector<64xf32>
    %add3A_450 = arith.addf %add3A_436, %reduce_sum3A_446 : vector<64xf32>
    %add3A_451 = arith.addf %add3A_437, %reduce_sum3A_449 : vector<64xf32>
    %slice3A_452 = vector.extract_strided_slice %add3A_356 {offsets = [0, 5936], sizes = [64, 784], strides = [1, 1]} : vector<64x6720xf32> to vector<64x784xf32>
    %swap3A_453 = arith.constant 7 : index
    %swap3A_454 = arith.constant 0 : index
    %swap3A_455 = arith.constant 0 : index
    %swap3A_456 = vector.load %arg6[%swap3A_453, %swap3A_454, %swap3A_455] : memref<8x64x784xf32, #tpu.memory_space<vmem>>, vector<1x64x784xf32>
    %swap3A_457 = vector.shape_cast %swap3A_456 : vector<1x64x784xf32> to vector<64x784xf32>
    %swap3A_458 = vector.shape_cast %slice3A_452 : vector<64x784xf32> to vector<1x64x784xf32>
    tpu.vector_store %arg6[%swap3A_453, %swap3A_454, %swap3A_455], %swap3A_458 {strides = array<i32>} : memref<8x64x784xf32, #tpu.memory_space<vmem>>, vector<1x64x784xf32>,
    %reduce_sum3A_459 = arith.constant dense<0.000000e+00> : vector<64xf32>
    %reduce_sum3A_460 = vector.multi_reduction <add>, %slice3A_452, %reduce_sum3A_459 [1] : vector<64x784xf32> to vector<64xf32>
    %mul3A_461 = arith.mulf %slice3A_452, %slice3A_452 : vector<64x784xf32>
    %reduce_sum3A_462 = arith.constant dense<0.000000e+00> : vector<64xf32>
    %reduce_sum3A_463 = vector.multi_reduction <add>, %mul3A_461, %reduce_sum3A_462 [1] : vector<64x784xf32> to vector<64xf32>
    %add3A_464 = arith.addf %add3A_450, %reduce_sum3A_460 : vector<64xf32>
    %add3A_465 = arith.addf %add3A_451, %reduce_sum3A_463 : vector<64xf32>
    %get3A_466 = arith.constant 0 : index
    %get3A_467 = arith.constant 0 : index
    %get3A_468 = vector.load %arg7[%get3A_466, %get3A_467] : memref<8x64xf32, #tpu.memory_space<vmem>>, vector<1x64xf32>
    %broadcast_in_dim3A_469 = vector.shape_cast %add3A_464 : vector<64xf32> to vector<1x64xf32>
    %add3A_470 = arith.addf %get3A_468, %broadcast_in_dim3A_469 : vector<1x64xf32>
    %swap3A_471 = arith.constant 0 : index
    %swap3A_472 = arith.constant 0 : index
    %swap3A_473 = vector.load %arg7[%swap3A_471, %swap3A_472] : memref<8x64xf32, #tpu.memory_space<vmem>>, vector<1x64xf32>
    tpu.vector_store %arg7[%swap3A_471, %swap3A_472], %add3A_470 {strides = array<i32>} : memref<8x64xf32, #tpu.memory_space<vmem>>, vector<1x64xf32>,
    %get3A_474 = arith.constant 1 : index
    %get3A_475 = arith.constant 0 : index
    %get3A_476 = vector.load %arg7[%get3A_474, %get3A_475] : memref<8x64xf32, #tpu.memory_space<vmem>>, vector<1x64xf32>
    %broadcast_in_dim3A_477 = vector.shape_cast %add3A_465 : vector<64xf32> to vector<1x64xf32>
    %add3A_478 = arith.addf %get3A_476, %broadcast_in_dim3A_477 : vector<1x64xf32>
    %swap3A_479 = arith.constant 1 : index
    %swap3A_480 = arith.constant 0 : index
    %swap3A_481 = vector.load %arg7[%swap3A_479, %swap3A_480] : memref<8x64xf32, #tpu.memory_space<vmem>>, vector<1x64xf32>
    tpu.vector_store %arg7[%swap3A_479, %swap3A_480], %add3A_478 {strides = array<i32>} : memref<8x64xf32, #tpu.memory_space<vmem>>, vector<1x64xf32>,
    return
  }
  func.func @transform_0(%arg0: i32) -> (i32, i32, i32) {
    %c0_i32 = arith.constant 0 : i32
    %c0_i32_0 = arith.constant 0 : i32
    %c0_i32_1 = arith.constant 0 : i32
    return %arg0, %c0_i32, %c0_i32_0 : i32, i32, i32
  }
  func.func @transform_1(%arg0: i32) -> (i32, i32, i32) {
    %c0_i32 = arith.constant 0 : i32
    %c0_i32_0 = arith.constant 0 : i32
    %c0_i32_1 = arith.constant 0 : i32
    %c0_i32_2 = arith.constant 0 : i32
    return %c0_i32, %c0_i32_0, %c0_i32_1 : i32, i32, i32
  }
  func.func @transform_2(%arg0: i32) -> (i32, i32) {
    %c0_i32 = arith.constant 0 : i32
    %c0_i32_0 = arith.constant 0 : i32
    %c0_i32_1 = arith.constant 0 : i32
    return %c0_i32, %c0_i32_0 : i32, i32
  }
  func.func @transform_3(%arg0: i32) -> (i32, i32) {
    %c0_i32 = arith.constant 0 : i32
    %c0_i32_0 = arith.constant 0 : i32
    %c0_i32_1 = arith.constant 0 : i32
    return %c0_i32, %c0_i32_0 : i32, i32
  }
  func.func @transform_4(%arg0: i32) -> (i32, i32) {
    %c0_i32 = arith.constant 0 : i32
    %c0_i32_0 = arith.constant 0 : i32
    %c0_i32_1 = arith.constant 0 : i32
    return %c0_i32, %c0_i32_0 : i32, i32
  }
  func.func @transform_5(%arg0: i32) -> (i32, i32, i32) {
    %c0_i32 = arith.constant 0 : i32
    %c0_i32_0 = arith.constant 0 : i32
    %c0_i32_1 = arith.constant 0 : i32
    return %arg0, %c0_i32, %c0_i32_0 : i32, i32, i32
  }
  func.func @transform_6(%arg0: i32) -> (i32, i32) {
    %c0_i32 = arith.constant 0 : i32
    %c0_i32_0 = arith.constant 0 : i32
    %c0_i32_1 = arith.constant 0 : i32
    return %c0_i32, %c0_i32_0 : i32, i32
  }
}

module attributes {stable_mosaic.version = 14 : i64} {
  func.func @_conv_body(%arg0: i32, %arg1: memref<8x64x784xf32, #tpu.memory_space<vmem>>, %arg2: memref<9x64x64xf32, #tpu.memory_space<vmem>>, %arg3: memref<64x1xf32, #tpu.memory_space<vmem>>, %arg4: memref<64x1xf32, #tpu.memory_space<vmem>>, %arg5: memref<64x1xf32, #tpu.memory_space<vmem>>, %arg6: memref<8x64x784xf32, #tpu.memory_space<vmem>>, %arg7: memref<8x64xf32, #tpu.memory_space<vmem>>, %arg8: memref<3x64x6784xf32, #tpu.memory_space<vmem>>) attributes {dimension_semantics = [#tpu.dimension_semantics<arbitrary>], iteration_bounds = array<i64: 64>, scalar_prefetch = 0 : i64, scratch_operands = 1 : i64, tpu.core_type = #tpu.core_type<tc>, window_params = [{transform_indices = @transform_0, window_bounds = array<i64: 8, 64, 784>}, {pipeline_mode = #tpu.pipeline_mode<synchronous>, transform_indices = @transform_1, window_bounds = array<i64: 9, 64, 64>}, {pipeline_mode = #tpu.pipeline_mode<synchronous>, transform_indices = @transform_2, window_bounds = array<i64: 64, 1>}, {pipeline_mode = #tpu.pipeline_mode<synchronous>, transform_indices = @transform_3, window_bounds = array<i64: 64, 1>}, {pipeline_mode = #tpu.pipeline_mode<synchronous>, transform_indices = @transform_4, window_bounds = array<i64: 64, 1>}, {transform_indices = @transform_5, window_bounds = array<i64: 8, 64, 784>}, {pipeline_mode = #tpu.pipeline_mode<synchronous>, transform_indices = @transform_6, window_bounds = array<i64: 8, 64>}]} {
    %eq3A = arith.constant 0 : i32
    %eq3A_0 = arith.cmpi eq, %arg0, %eq3A : i32
    %convert_element_type3A = arith.extui %eq3A_0 : i1 to i32
    %cond3A = arith.constant 0 : i32
    %cond3A_1 = arith.cmpi ne, %convert_element_type3A, %cond3A : i32
    scf.if %cond3A_1 {
      %broadcast_in_dim3A_480 = arith.constant 0.000000e+00 : f32
      %broadcast_in_dim3A_481 = vector.broadcast %broadcast_in_dim3A_480 : f32 to vector<8x64xf32>
      %swap3A_482 = arith.constant 0 : index
      %swap3A_483 = arith.constant 0 : index
      %swap3A_484 = vector.load %arg7[%swap3A_482, %swap3A_483] : memref<8x64xf32, #tpu.memory_space<vmem>>, vector<8x64xf32>
      tpu.vector_store %arg7[%swap3A_482, %swap3A_483], %broadcast_in_dim3A_481 {strides = array<i32>} : memref<8x64xf32, #tpu.memory_space<vmem>>, vector<8x64xf32>,
      %broadcast_in_dim3A_485 = arith.constant 0.000000e+00 : f32
      %broadcast_in_dim3A_486 = vector.broadcast %broadcast_in_dim3A_485 : f32 to vector<3x64x6784xf32>
      %swap3A_487 = arith.constant 0 : index
      %swap3A_488 = arith.constant 0 : index
      %swap3A_489 = arith.constant 0 : index
      %swap3A_490 = vector.load %arg8[%swap3A_487, %swap3A_488, %swap3A_489] : memref<3x64x6784xf32, #tpu.memory_space<vmem>>, vector<3x64x6784xf32>
      tpu.vector_store %arg8[%swap3A_487, %swap3A_488, %swap3A_489], %broadcast_in_dim3A_486 {strides = array<i32>} : memref<3x64x6784xf32, #tpu.memory_space<vmem>>, vector<3x64x6784xf32>,
    } else {
    }
    %get3A = arith.constant 0 : index
    %get3A_2 = arith.constant 0 : index
    %get3A_3 = arith.constant 0 : index
    %get3A_4 = vector.load %arg1[%get3A, %get3A_2, %get3A_3] : memref<8x64x784xf32, #tpu.memory_space<vmem>>, vector<8x64x784xf32>
    %get3A_5 = arith.constant 0 : index
    %get3A_6 = arith.constant 0 : index
    %get3A_7 = vector.load %arg4[%get3A_5, %get3A_6] : memref<64x1xf32, #tpu.memory_space<vmem>>, vector<64x1xf32>
    %broadcast_in_dim3A = vector.shape_cast %get3A_7 : vector<64x1xf32> to vector<1x64x1xf32>
    %get3A_8 = arith.constant 0 : index
    %get3A_9 = arith.constant 0 : index
    %get3A_10 = vector.load %arg5[%get3A_8, %get3A_9] : memref<64x1xf32, #tpu.memory_space<vmem>>, vector<64x1xf32>
    %broadcast_in_dim3A_11 = vector.shape_cast %get3A_10 : vector<64x1xf32> to vector<1x64x1xf32>
    %mul3A = vector.broadcast %broadcast_in_dim3A : vector<1x64x1xf32> to vector<8x64x784xf32>
    %mul3A_12 = arith.mulf %get3A_4, %mul3A : vector<8x64x784xf32>
    %add3A = vector.broadcast %broadcast_in_dim3A_11 : vector<1x64x1xf32> to vector<8x64x784xf32>
    %add3A_13 = arith.addf %mul3A_12, %add3A : vector<8x64x784xf32>
    %iota3A = tpu.iota {dimensions = array<i32: 1>} : vector<1x784xi32>
    %jit3A = arith.constant 28 : i32
    %eq3A_14 = arith.constant 0 : i32
    %eq3A_15 = arith.cmpi eq, %jit3A, %eq3A_14 : i32
    %jit3A_16 = arith.constant 1 : i32
    %select_n3A = arith.select %eq3A_15, %jit3A_16, %jit3A : i32
    %rem3A = vector.broadcast %select_n3A : i32 to vector<1x784xi32>
    %rem3A_17 = arith.remsi %iota3A, %rem3A : vector<1x784xi32>
    %ne3A = arith.constant 0 : i32
    %ne3A_18 = vector.broadcast %ne3A : i32 to vector<1x784xi32>
    %ne3A_19 = arith.cmpi ne, %rem3A_17, %ne3A_18 : vector<1x784xi32>
    %lt3A = arith.constant 0 : i32
    %lt3A_20 = vector.broadcast %lt3A : i32 to vector<1x784xi32>
    %lt3A_21 = arith.cmpi slt, %rem3A_17, %lt3A_20 : vector<1x784xi32>
    %lt3A_22 = arith.constant 0 : i32
    %lt3A_23 = arith.cmpi slt, %select_n3A, %lt3A_22 : i32
    %ne3A_24 = vector.broadcast %lt3A_23 : i1 to vector<1x784xi1>
    %ne3A_25 = vector.broadcast %ne3A_24 : vector<1x784xi1> to vector<1x784xi1>
    %ne3A_26 = arith.xori %lt3A_21, %ne3A_25 : vector<1x784xi1>
    %and3A = arith.andi %ne3A_26, %ne3A_19 : vector<1x784xi1>
    %add3A_27 = vector.broadcast %select_n3A : i32 to vector<1x784xi32>
    %add3A_28 = arith.addi %rem3A_17, %add3A_27 : vector<1x784xi32>
    %select_n3A_29 = arith.select %and3A, %add3A_28, %rem3A_17 : vector<1x784xi1>, vector<1x784xi32>
    %eq3A_30 = arith.constant 27 : i32
    %eq3A_31 = vector.broadcast %eq3A_30 : i32 to vector<1x784xi32>
    %eq3A_32 = arith.cmpi eq, %select_n3A_29, %eq3A_31 : vector<1x784xi32>
    %jit3A_33 = arith.constant 0.000000e+00 : f32
    %jit3A_34 = arith.constant 1.000000e+00 : f32
    %broadcast_in_dim3A_35 = vector.broadcast %jit3A_33 : f32 to vector<1x784xf32>
    %broadcast_in_dim3A_36 = vector.broadcast %jit3A_34 : f32 to vector<1x784xf32>
    %select_n3A_37 = arith.select %eq3A_32, %broadcast_in_dim3A_35, %broadcast_in_dim3A_36 : vector<1x784xi1>, vector<1x784xf32>
    %eq3A_38 = arith.constant 0 : i32
    %eq3A_39 = vector.broadcast %eq3A_38 : i32 to vector<1x784xi32>
    %eq3A_40 = arith.cmpi eq, %select_n3A_29, %eq3A_39 : vector<1x784xi32>
    %jit3A_41 = arith.constant 0.000000e+00 : f32
    %jit3A_42 = arith.constant 1.000000e+00 : f32
    %broadcast_in_dim3A_43 = vector.broadcast %jit3A_41 : f32 to vector<1x784xf32>
    %broadcast_in_dim3A_44 = vector.broadcast %jit3A_42 : f32 to vector<1x784xf32>
    %select_n3A_45 = arith.select %eq3A_40, %broadcast_in_dim3A_43, %broadcast_in_dim3A_44 : vector<1x784xi1>, vector<1x784xf32>
    %slice3A = vector.extract_strided_slice %add3A_13 {offsets = [0, 0, 0], sizes = [1, 64, 784], strides = [1, 1, 1]} : vector<8x64x784xf32> to vector<1x64x784xf32>
    %squeeze3A = vector.shape_cast %slice3A : vector<1x64x784xf32> to vector<64x784xf32>
    %mul3A_46 = vector.broadcast %select_n3A_37 : vector<1x784xf32> to vector<64x784xf32>
    %mul3A_47 = arith.mulf %squeeze3A, %mul3A_46 : vector<64x784xf32>
    %swap3A = arith.constant 0 : index
    %swap3A_48 = arith.constant 0 : index
    %swap3A_49 = arith.constant 32 : index
    %swap3A_50 = vector.load %arg8[%swap3A, %swap3A_48, %swap3A_49] : memref<3x64x6784xf32, #tpu.memory_space<vmem>>, vector<1x64x784xf32>
    %swap3A_51 = vector.shape_cast %swap3A_50 : vector<1x64x784xf32> to vector<64x784xf32>
    %swap3A_52 = vector.shape_cast %mul3A_47 : vector<64x784xf32> to vector<1x64x784xf32>
    tpu.vector_store %arg8[%swap3A, %swap3A_48, %swap3A_49], %swap3A_52 {strides = array<i32>} : memref<3x64x6784xf32, #tpu.memory_space<vmem>>, vector<1x64x784xf32>,
    %swap3A_53 = arith.constant 1 : index
    %swap3A_54 = arith.constant 0 : index
    %swap3A_55 = arith.constant 32 : index
    %swap3A_56 = vector.load %arg8[%swap3A_53, %swap3A_54, %swap3A_55] : memref<3x64x6784xf32, #tpu.memory_space<vmem>>, vector<1x64x784xf32>
    %swap3A_57 = vector.shape_cast %swap3A_56 : vector<1x64x784xf32> to vector<64x784xf32>
    %swap3A_58 = vector.shape_cast %squeeze3A : vector<64x784xf32> to vector<1x64x784xf32>
    tpu.vector_store %arg8[%swap3A_53, %swap3A_54, %swap3A_55], %swap3A_58 {strides = array<i32>} : memref<3x64x6784xf32, #tpu.memory_space<vmem>>, vector<1x64x784xf32>,
    %mul3A_59 = vector.broadcast %select_n3A_45 : vector<1x784xf32> to vector<64x784xf32>
    %mul3A_60 = arith.mulf %squeeze3A, %mul3A_59 : vector<64x784xf32>
    %swap3A_61 = arith.constant 2 : index
    %swap3A_62 = arith.constant 0 : index
    %swap3A_63 = arith.constant 32 : index
    %swap3A_64 = vector.load %arg8[%swap3A_61, %swap3A_62, %swap3A_63] : memref<3x64x6784xf32, #tpu.memory_space<vmem>>, vector<1x64x784xf32>
    %swap3A_65 = vector.shape_cast %swap3A_64 : vector<1x64x784xf32> to vector<64x784xf32>
    %swap3A_66 = vector.shape_cast %mul3A_60 : vector<64x784xf32> to vector<1x64x784xf32>
    tpu.vector_store %arg8[%swap3A_61, %swap3A_62, %swap3A_63], %swap3A_66 {strides = array<i32>} : memref<3x64x6784xf32, #tpu.memory_space<vmem>>, vector<1x64x784xf32>,
    %slice3A_67 = vector.extract_strided_slice %add3A_13 {offsets = [1, 0, 0], sizes = [1, 64, 784], strides = [1, 1, 1]} : vector<8x64x784xf32> to vector<1x64x784xf32>
    %squeeze3A_68 = vector.shape_cast %slice3A_67 : vector<1x64x784xf32> to vector<64x784xf32>
    %mul3A_69 = vector.broadcast %select_n3A_37 : vector<1x784xf32> to vector<64x784xf32>
    %mul3A_70 = arith.mulf %squeeze3A_68, %mul3A_69 : vector<64x784xf32>
    %swap3A_71 = arith.constant 0 : index
    %swap3A_72 = arith.constant 0 : index
    %swap3A_73 = arith.constant 880 : index
    %swap3A_74 = vector.load %arg8[%swap3A_71, %swap3A_72, %swap3A_73] : memref<3x64x6784xf32, #tpu.memory_space<vmem>>, vector<1x64x784xf32>
    %swap3A_75 = vector.shape_cast %swap3A_74 : vector<1x64x784xf32> to vector<64x784xf32>
    %swap3A_76 = vector.shape_cast %mul3A_70 : vector<64x784xf32> to vector<1x64x784xf32>
    tpu.vector_store %arg8[%swap3A_71, %swap3A_72, %swap3A_73], %swap3A_76 {strides = array<i32>} : memref<3x64x6784xf32, #tpu.memory_space<vmem>>, vector<1x64x784xf32>,
    %swap3A_77 = arith.constant 1 : index
    %swap3A_78 = arith.constant 0 : index
    %swap3A_79 = arith.constant 880 : index
    %swap3A_80 = vector.load %arg8[%swap3A_77, %swap3A_78, %swap3A_79] : memref<3x64x6784xf32, #tpu.memory_space<vmem>>, vector<1x64x784xf32>
    %swap3A_81 = vector.shape_cast %swap3A_80 : vector<1x64x784xf32> to vector<64x784xf32>
    %swap3A_82 = vector.shape_cast %squeeze3A_68 : vector<64x784xf32> to vector<1x64x784xf32>
    tpu.vector_store %arg8[%swap3A_77, %swap3A_78, %swap3A_79], %swap3A_82 {strides = array<i32>} : memref<3x64x6784xf32, #tpu.memory_space<vmem>>, vector<1x64x784xf32>,
    %mul3A_83 = vector.broadcast %select_n3A_45 : vector<1x784xf32> to vector<64x784xf32>
    %mul3A_84 = arith.mulf %squeeze3A_68, %mul3A_83 : vector<64x784xf32>
    %swap3A_85 = arith.constant 2 : index
    %swap3A_86 = arith.constant 0 : index
    %swap3A_87 = arith.constant 880 : index
    %swap3A_88 = vector.load %arg8[%swap3A_85, %swap3A_86, %swap3A_87] : memref<3x64x6784xf32, #tpu.memory_space<vmem>>, vector<1x64x784xf32>
    %swap3A_89 = vector.shape_cast %swap3A_88 : vector<1x64x784xf32> to vector<64x784xf32>
    %swap3A_90 = vector.shape_cast %mul3A_84 : vector<64x784xf32> to vector<1x64x784xf32>
    tpu.vector_store %arg8[%swap3A_85, %swap3A_86, %swap3A_87], %swap3A_90 {strides = array<i32>} : memref<3x64x6784xf32, #tpu.memory_space<vmem>>, vector<1x64x784xf32>,
    %slice3A_91 = vector.extract_strided_slice %add3A_13 {offsets = [2, 0, 0], sizes = [1, 64, 784], strides = [1, 1, 1]} : vector<8x64x784xf32> to vector<1x64x784xf32>
    %squeeze3A_92 = vector.shape_cast %slice3A_91 : vector<1x64x784xf32> to vector<64x784xf32>
    %mul3A_93 = vector.broadcast %select_n3A_37 : vector<1x784xf32> to vector<64x784xf32>
    %mul3A_94 = arith.mulf %squeeze3A_92, %mul3A_93 : vector<64x784xf32>
    %swap3A_95 = arith.constant 0 : index
    %swap3A_96 = arith.constant 0 : index
    %swap3A_97 = arith.constant 1728 : index
    %swap3A_98 = vector.load %arg8[%swap3A_95, %swap3A_96, %swap3A_97] : memref<3x64x6784xf32, #tpu.memory_space<vmem>>, vector<1x64x784xf32>
    %swap3A_99 = vector.shape_cast %swap3A_98 : vector<1x64x784xf32> to vector<64x784xf32>
    %swap3A_100 = vector.shape_cast %mul3A_94 : vector<64x784xf32> to vector<1x64x784xf32>
    tpu.vector_store %arg8[%swap3A_95, %swap3A_96, %swap3A_97], %swap3A_100 {strides = array<i32>} : memref<3x64x6784xf32, #tpu.memory_space<vmem>>, vector<1x64x784xf32>,
    %swap3A_101 = arith.constant 1 : index
    %swap3A_102 = arith.constant 0 : index
    %swap3A_103 = arith.constant 1728 : index
    %swap3A_104 = vector.load %arg8[%swap3A_101, %swap3A_102, %swap3A_103] : memref<3x64x6784xf32, #tpu.memory_space<vmem>>, vector<1x64x784xf32>
    %swap3A_105 = vector.shape_cast %swap3A_104 : vector<1x64x784xf32> to vector<64x784xf32>
    %swap3A_106 = vector.shape_cast %squeeze3A_92 : vector<64x784xf32> to vector<1x64x784xf32>
    tpu.vector_store %arg8[%swap3A_101, %swap3A_102, %swap3A_103], %swap3A_106 {strides = array<i32>} : memref<3x64x6784xf32, #tpu.memory_space<vmem>>, vector<1x64x784xf32>,
    %mul3A_107 = vector.broadcast %select_n3A_45 : vector<1x784xf32> to vector<64x784xf32>
    %mul3A_108 = arith.mulf %squeeze3A_92, %mul3A_107 : vector<64x784xf32>
    %swap3A_109 = arith.constant 2 : index
    %swap3A_110 = arith.constant 0 : index
    %swap3A_111 = arith.constant 1728 : index
    %swap3A_112 = vector.load %arg8[%swap3A_109, %swap3A_110, %swap3A_111] : memref<3x64x6784xf32, #tpu.memory_space<vmem>>, vector<1x64x784xf32>
    %swap3A_113 = vector.shape_cast %swap3A_112 : vector<1x64x784xf32> to vector<64x784xf32>
    %swap3A_114 = vector.shape_cast %mul3A_108 : vector<64x784xf32> to vector<1x64x784xf32>
    tpu.vector_store %arg8[%swap3A_109, %swap3A_110, %swap3A_111], %swap3A_114 {strides = array<i32>} : memref<3x64x6784xf32, #tpu.memory_space<vmem>>, vector<1x64x784xf32>,
    %slice3A_115 = vector.extract_strided_slice %add3A_13 {offsets = [3, 0, 0], sizes = [1, 64, 784], strides = [1, 1, 1]} : vector<8x64x784xf32> to vector<1x64x784xf32>
    %squeeze3A_116 = vector.shape_cast %slice3A_115 : vector<1x64x784xf32> to vector<64x784xf32>
    %mul3A_117 = vector.broadcast %select_n3A_37 : vector<1x784xf32> to vector<64x784xf32>
    %mul3A_118 = arith.mulf %squeeze3A_116, %mul3A_117 : vector<64x784xf32>
    %swap3A_119 = arith.constant 0 : index
    %swap3A_120 = arith.constant 0 : index
    %swap3A_121 = arith.constant 2576 : index
    %swap3A_122 = vector.load %arg8[%swap3A_119, %swap3A_120, %swap3A_121] : memref<3x64x6784xf32, #tpu.memory_space<vmem>>, vector<1x64x784xf32>
    %swap3A_123 = vector.shape_cast %swap3A_122 : vector<1x64x784xf32> to vector<64x784xf32>
    %swap3A_124 = vector.shape_cast %mul3A_118 : vector<64x784xf32> to vector<1x64x784xf32>
    tpu.vector_store %arg8[%swap3A_119, %swap3A_120, %swap3A_121], %swap3A_124 {strides = array<i32>} : memref<3x64x6784xf32, #tpu.memory_space<vmem>>, vector<1x64x784xf32>,
    %swap3A_125 = arith.constant 1 : index
    %swap3A_126 = arith.constant 0 : index
    %swap3A_127 = arith.constant 2576 : index
    %swap3A_128 = vector.load %arg8[%swap3A_125, %swap3A_126, %swap3A_127] : memref<3x64x6784xf32, #tpu.memory_space<vmem>>, vector<1x64x784xf32>
    %swap3A_129 = vector.shape_cast %swap3A_128 : vector<1x64x784xf32> to vector<64x784xf32>
    %swap3A_130 = vector.shape_cast %squeeze3A_116 : vector<64x784xf32> to vector<1x64x784xf32>
    tpu.vector_store %arg8[%swap3A_125, %swap3A_126, %swap3A_127], %swap3A_130 {strides = array<i32>} : memref<3x64x6784xf32, #tpu.memory_space<vmem>>, vector<1x64x784xf32>,
    %mul3A_131 = vector.broadcast %select_n3A_45 : vector<1x784xf32> to vector<64x784xf32>
    %mul3A_132 = arith.mulf %squeeze3A_116, %mul3A_131 : vector<64x784xf32>
    %swap3A_133 = arith.constant 2 : index
    %swap3A_134 = arith.constant 0 : index
    %swap3A_135 = arith.constant 2576 : index
    %swap3A_136 = vector.load %arg8[%swap3A_133, %swap3A_134, %swap3A_135] : memref<3x64x6784xf32, #tpu.memory_space<vmem>>, vector<1x64x784xf32>
    %swap3A_137 = vector.shape_cast %swap3A_136 : vector<1x64x784xf32> to vector<64x784xf32>
    %swap3A_138 = vector.shape_cast %mul3A_132 : vector<64x784xf32> to vector<1x64x784xf32>
    tpu.vector_store %arg8[%swap3A_133, %swap3A_134, %swap3A_135], %swap3A_138 {strides = array<i32>} : memref<3x64x6784xf32, #tpu.memory_space<vmem>>, vector<1x64x784xf32>,
    %slice3A_139 = vector.extract_strided_slice %add3A_13 {offsets = [4, 0, 0], sizes = [1, 64, 784], strides = [1, 1, 1]} : vector<8x64x784xf32> to vector<1x64x784xf32>
    %squeeze3A_140 = vector.shape_cast %slice3A_139 : vector<1x64x784xf32> to vector<64x784xf32>
    %mul3A_141 = vector.broadcast %select_n3A_37 : vector<1x784xf32> to vector<64x784xf32>
    %mul3A_142 = arith.mulf %squeeze3A_140, %mul3A_141 : vector<64x784xf32>
    %swap3A_143 = arith.constant 0 : index
    %swap3A_144 = arith.constant 0 : index
    %swap3A_145 = arith.constant 3424 : index
    %swap3A_146 = vector.load %arg8[%swap3A_143, %swap3A_144, %swap3A_145] : memref<3x64x6784xf32, #tpu.memory_space<vmem>>, vector<1x64x784xf32>
    %swap3A_147 = vector.shape_cast %swap3A_146 : vector<1x64x784xf32> to vector<64x784xf32>
    %swap3A_148 = vector.shape_cast %mul3A_142 : vector<64x784xf32> to vector<1x64x784xf32>
    tpu.vector_store %arg8[%swap3A_143, %swap3A_144, %swap3A_145], %swap3A_148 {strides = array<i32>} : memref<3x64x6784xf32, #tpu.memory_space<vmem>>, vector<1x64x784xf32>,
    %swap3A_149 = arith.constant 1 : index
    %swap3A_150 = arith.constant 0 : index
    %swap3A_151 = arith.constant 3424 : index
    %swap3A_152 = vector.load %arg8[%swap3A_149, %swap3A_150, %swap3A_151] : memref<3x64x6784xf32, #tpu.memory_space<vmem>>, vector<1x64x784xf32>
    %swap3A_153 = vector.shape_cast %swap3A_152 : vector<1x64x784xf32> to vector<64x784xf32>
    %swap3A_154 = vector.shape_cast %squeeze3A_140 : vector<64x784xf32> to vector<1x64x784xf32>
    tpu.vector_store %arg8[%swap3A_149, %swap3A_150, %swap3A_151], %swap3A_154 {strides = array<i32>} : memref<3x64x6784xf32, #tpu.memory_space<vmem>>, vector<1x64x784xf32>,
    %mul3A_155 = vector.broadcast %select_n3A_45 : vector<1x784xf32> to vector<64x784xf32>
    %mul3A_156 = arith.mulf %squeeze3A_140, %mul3A_155 : vector<64x784xf32>
    %swap3A_157 = arith.constant 2 : index
    %swap3A_158 = arith.constant 0 : index
    %swap3A_159 = arith.constant 3424 : index
    %swap3A_160 = vector.load %arg8[%swap3A_157, %swap3A_158, %swap3A_159] : memref<3x64x6784xf32, #tpu.memory_space<vmem>>, vector<1x64x784xf32>
    %swap3A_161 = vector.shape_cast %swap3A_160 : vector<1x64x784xf32> to vector<64x784xf32>
    %swap3A_162 = vector.shape_cast %mul3A_156 : vector<64x784xf32> to vector<1x64x784xf32>
    tpu.vector_store %arg8[%swap3A_157, %swap3A_158, %swap3A_159], %swap3A_162 {strides = array<i32>} : memref<3x64x6784xf32, #tpu.memory_space<vmem>>, vector<1x64x784xf32>,
    %slice3A_163 = vector.extract_strided_slice %add3A_13 {offsets = [5, 0, 0], sizes = [1, 64, 784], strides = [1, 1, 1]} : vector<8x64x784xf32> to vector<1x64x784xf32>
    %squeeze3A_164 = vector.shape_cast %slice3A_163 : vector<1x64x784xf32> to vector<64x784xf32>
    %mul3A_165 = vector.broadcast %select_n3A_37 : vector<1x784xf32> to vector<64x784xf32>
    %mul3A_166 = arith.mulf %squeeze3A_164, %mul3A_165 : vector<64x784xf32>
    %swap3A_167 = arith.constant 0 : index
    %swap3A_168 = arith.constant 0 : index
    %swap3A_169 = arith.constant 4272 : index
    %swap3A_170 = vector.load %arg8[%swap3A_167, %swap3A_168, %swap3A_169] : memref<3x64x6784xf32, #tpu.memory_space<vmem>>, vector<1x64x784xf32>
    %swap3A_171 = vector.shape_cast %swap3A_170 : vector<1x64x784xf32> to vector<64x784xf32>
    %swap3A_172 = vector.shape_cast %mul3A_166 : vector<64x784xf32> to vector<1x64x784xf32>
    tpu.vector_store %arg8[%swap3A_167, %swap3A_168, %swap3A_169], %swap3A_172 {strides = array<i32>} : memref<3x64x6784xf32, #tpu.memory_space<vmem>>, vector<1x64x784xf32>,
    %swap3A_173 = arith.constant 1 : index
    %swap3A_174 = arith.constant 0 : index
    %swap3A_175 = arith.constant 4272 : index
    %swap3A_176 = vector.load %arg8[%swap3A_173, %swap3A_174, %swap3A_175] : memref<3x64x6784xf32, #tpu.memory_space<vmem>>, vector<1x64x784xf32>
    %swap3A_177 = vector.shape_cast %swap3A_176 : vector<1x64x784xf32> to vector<64x784xf32>
    %swap3A_178 = vector.shape_cast %squeeze3A_164 : vector<64x784xf32> to vector<1x64x784xf32>
    tpu.vector_store %arg8[%swap3A_173, %swap3A_174, %swap3A_175], %swap3A_178 {strides = array<i32>} : memref<3x64x6784xf32, #tpu.memory_space<vmem>>, vector<1x64x784xf32>,
    %mul3A_179 = vector.broadcast %select_n3A_45 : vector<1x784xf32> to vector<64x784xf32>
    %mul3A_180 = arith.mulf %squeeze3A_164, %mul3A_179 : vector<64x784xf32>
    %swap3A_181 = arith.constant 2 : index
    %swap3A_182 = arith.constant 0 : index
    %swap3A_183 = arith.constant 4272 : index
    %swap3A_184 = vector.load %arg8[%swap3A_181, %swap3A_182, %swap3A_183] : memref<3x64x6784xf32, #tpu.memory_space<vmem>>, vector<1x64x784xf32>
    %swap3A_185 = vector.shape_cast %swap3A_184 : vector<1x64x784xf32> to vector<64x784xf32>
    %swap3A_186 = vector.shape_cast %mul3A_180 : vector<64x784xf32> to vector<1x64x784xf32>
    tpu.vector_store %arg8[%swap3A_181, %swap3A_182, %swap3A_183], %swap3A_186 {strides = array<i32>} : memref<3x64x6784xf32, #tpu.memory_space<vmem>>, vector<1x64x784xf32>,
    %slice3A_187 = vector.extract_strided_slice %add3A_13 {offsets = [6, 0, 0], sizes = [1, 64, 784], strides = [1, 1, 1]} : vector<8x64x784xf32> to vector<1x64x784xf32>
    %squeeze3A_188 = vector.shape_cast %slice3A_187 : vector<1x64x784xf32> to vector<64x784xf32>
    %mul3A_189 = vector.broadcast %select_n3A_37 : vector<1x784xf32> to vector<64x784xf32>
    %mul3A_190 = arith.mulf %squeeze3A_188, %mul3A_189 : vector<64x784xf32>
    %swap3A_191 = arith.constant 0 : index
    %swap3A_192 = arith.constant 0 : index
    %swap3A_193 = arith.constant 5120 : index
    %swap3A_194 = vector.load %arg8[%swap3A_191, %swap3A_192, %swap3A_193] : memref<3x64x6784xf32, #tpu.memory_space<vmem>>, vector<1x64x784xf32>
    %swap3A_195 = vector.shape_cast %swap3A_194 : vector<1x64x784xf32> to vector<64x784xf32>
    %swap3A_196 = vector.shape_cast %mul3A_190 : vector<64x784xf32> to vector<1x64x784xf32>
    tpu.vector_store %arg8[%swap3A_191, %swap3A_192, %swap3A_193], %swap3A_196 {strides = array<i32>} : memref<3x64x6784xf32, #tpu.memory_space<vmem>>, vector<1x64x784xf32>,
    %swap3A_197 = arith.constant 1 : index
    %swap3A_198 = arith.constant 0 : index
    %swap3A_199 = arith.constant 5120 : index
    %swap3A_200 = vector.load %arg8[%swap3A_197, %swap3A_198, %swap3A_199] : memref<3x64x6784xf32, #tpu.memory_space<vmem>>, vector<1x64x784xf32>
    %swap3A_201 = vector.shape_cast %swap3A_200 : vector<1x64x784xf32> to vector<64x784xf32>
    %swap3A_202 = vector.shape_cast %squeeze3A_188 : vector<64x784xf32> to vector<1x64x784xf32>
    tpu.vector_store %arg8[%swap3A_197, %swap3A_198, %swap3A_199], %swap3A_202 {strides = array<i32>} : memref<3x64x6784xf32, #tpu.memory_space<vmem>>, vector<1x64x784xf32>,
    %mul3A_203 = vector.broadcast %select_n3A_45 : vector<1x784xf32> to vector<64x784xf32>
    %mul3A_204 = arith.mulf %squeeze3A_188, %mul3A_203 : vector<64x784xf32>
    %swap3A_205 = arith.constant 2 : index
    %swap3A_206 = arith.constant 0 : index
    %swap3A_207 = arith.constant 5120 : index
    %swap3A_208 = vector.load %arg8[%swap3A_205, %swap3A_206, %swap3A_207] : memref<3x64x6784xf32, #tpu.memory_space<vmem>>, vector<1x64x784xf32>
    %swap3A_209 = vector.shape_cast %swap3A_208 : vector<1x64x784xf32> to vector<64x784xf32>
    %swap3A_210 = vector.shape_cast %mul3A_204 : vector<64x784xf32> to vector<1x64x784xf32>
    tpu.vector_store %arg8[%swap3A_205, %swap3A_206, %swap3A_207], %swap3A_210 {strides = array<i32>} : memref<3x64x6784xf32, #tpu.memory_space<vmem>>, vector<1x64x784xf32>,
    %slice3A_211 = vector.extract_strided_slice %add3A_13 {offsets = [7, 0, 0], sizes = [1, 64, 784], strides = [1, 1, 1]} : vector<8x64x784xf32> to vector<1x64x784xf32>
    %squeeze3A_212 = vector.shape_cast %slice3A_211 : vector<1x64x784xf32> to vector<64x784xf32>
    %mul3A_213 = vector.broadcast %select_n3A_37 : vector<1x784xf32> to vector<64x784xf32>
    %mul3A_214 = arith.mulf %squeeze3A_212, %mul3A_213 : vector<64x784xf32>
    %swap3A_215 = arith.constant 0 : index
    %swap3A_216 = arith.constant 0 : index
    %swap3A_217 = arith.constant 5968 : index
    %swap3A_218 = vector.load %arg8[%swap3A_215, %swap3A_216, %swap3A_217] : memref<3x64x6784xf32, #tpu.memory_space<vmem>>, vector<1x64x784xf32>
    %swap3A_219 = vector.shape_cast %swap3A_218 : vector<1x64x784xf32> to vector<64x784xf32>
    %swap3A_220 = vector.shape_cast %mul3A_214 : vector<64x784xf32> to vector<1x64x784xf32>
    tpu.vector_store %arg8[%swap3A_215, %swap3A_216, %swap3A_217], %swap3A_220 {strides = array<i32>} : memref<3x64x6784xf32, #tpu.memory_space<vmem>>, vector<1x64x784xf32>,
    %swap3A_221 = arith.constant 1 : index
    %swap3A_222 = arith.constant 0 : index
    %swap3A_223 = arith.constant 5968 : index
    %swap3A_224 = vector.load %arg8[%swap3A_221, %swap3A_222, %swap3A_223] : memref<3x64x6784xf32, #tpu.memory_space<vmem>>, vector<1x64x784xf32>
    %swap3A_225 = vector.shape_cast %swap3A_224 : vector<1x64x784xf32> to vector<64x784xf32>
    %swap3A_226 = vector.shape_cast %squeeze3A_212 : vector<64x784xf32> to vector<1x64x784xf32>
    tpu.vector_store %arg8[%swap3A_221, %swap3A_222, %swap3A_223], %swap3A_226 {strides = array<i32>} : memref<3x64x6784xf32, #tpu.memory_space<vmem>>, vector<1x64x784xf32>,
    %mul3A_227 = vector.broadcast %select_n3A_45 : vector<1x784xf32> to vector<64x784xf32>
    %mul3A_228 = arith.mulf %squeeze3A_212, %mul3A_227 : vector<64x784xf32>
    %swap3A_229 = arith.constant 2 : index
    %swap3A_230 = arith.constant 0 : index
    %swap3A_231 = arith.constant 5968 : index
    %swap3A_232 = vector.load %arg8[%swap3A_229, %swap3A_230, %swap3A_231] : memref<3x64x6784xf32, #tpu.memory_space<vmem>>, vector<1x64x784xf32>
    %swap3A_233 = vector.shape_cast %swap3A_232 : vector<1x64x784xf32> to vector<64x784xf32>
    %swap3A_234 = vector.shape_cast %mul3A_228 : vector<64x784xf32> to vector<1x64x784xf32>
    tpu.vector_store %arg8[%swap3A_229, %swap3A_230, %swap3A_231], %swap3A_234 {strides = array<i32>} : memref<3x64x6784xf32, #tpu.memory_space<vmem>>, vector<1x64x784xf32>,
    %get3A_235 = arith.constant 0 : index
    %get3A_236 = arith.constant 0 : index
    %get3A_237 = arith.constant 3 : index
    %get3A_238 = vector.load %arg8[%get3A_235, %get3A_236, %get3A_237] : memref<3x64x6784xf32, #tpu.memory_space<vmem>>, vector<1x64x6720xf32>
    %get3A_239 = vector.shape_cast %get3A_238 : vector<1x64x6720xf32> to vector<64x6720xf32>
    %get3A_240 = arith.constant 0 : index
    %get3A_241 = arith.constant 0 : index
    %get3A_242 = arith.constant 0 : index
    %get3A_243 = vector.load %arg2[%get3A_240, %get3A_241, %get3A_242] : memref<9x64x64xf32, #tpu.memory_space<vmem>>, vector<1x64x64xf32>
    %get3A_244 = vector.shape_cast %get3A_243 : vector<1x64x64xf32> to vector<64x64xf32>
    %dot_general3A = arith.constant dense<0.000000e+00> : vector<64x6720xf32>
    %dot_general3A_245 = tpu.matmul %get3A_244, %get3A_239, %dot_general3A {dimension_numbers = #tpu.dot_dimension_numbers<[1], [0], [0], [1], [0, 0, 1, 1], [], []>, transpose_lhs_hint = false} : vector<64x64xf32>, vector<64x6720xf32>, vector<64x6720xf32> -> vector<64x6720xf32>
    %get3A_246 = arith.constant 1 : index
    %get3A_247 = arith.constant 0 : index
    %get3A_248 = arith.constant 4 : index
    %get3A_249 = vector.load %arg8[%get3A_246, %get3A_247, %get3A_248] : memref<3x64x6784xf32, #tpu.memory_space<vmem>>, vector<1x64x6720xf32>
    %get3A_250 = vector.shape_cast %get3A_249 : vector<1x64x6720xf32> to vector<64x6720xf32>
    %get3A_251 = arith.constant 1 : index
    %get3A_252 = arith.constant 0 : index
    %get3A_253 = arith.constant 0 : index
    %get3A_254 = vector.load %arg2[%get3A_251, %get3A_252, %get3A_253] : memref<9x64x64xf32, #tpu.memory_space<vmem>>, vector<1x64x64xf32>
    %get3A_255 = vector.shape_cast %get3A_254 : vector<1x64x64xf32> to vector<64x64xf32>
    %dot_general3A_256 = arith.constant dense<0.000000e+00> : vector<64x6720xf32>
    %dot_general3A_257 = tpu.matmul %get3A_255, %get3A_250, %dot_general3A_256 {dimension_numbers = #tpu.dot_dimension_numbers<[1], [0], [0], [1], [0, 0, 1, 1], [], []>, transpose_lhs_hint = false} : vector<64x64xf32>, vector<64x6720xf32>, vector<64x6720xf32> -> vector<64x6720xf32>
    %add3A_258 = arith.addf %dot_general3A_245, %dot_general3A_257 : vector<64x6720xf32>
    %get3A_259 = arith.constant 2 : index
    %get3A_260 = arith.constant 0 : index
    %get3A_261 = arith.constant 5 : index
    %get3A_262 = vector.load %arg8[%get3A_259, %get3A_260, %get3A_261] : memref<3x64x6784xf32, #tpu.memory_space<vmem>>, vector<1x64x6720xf32>
    %get3A_263 = vector.shape_cast %get3A_262 : vector<1x64x6720xf32> to vector<64x6720xf32>
    %get3A_264 = arith.constant 2 : index
    %get3A_265 = arith.constant 0 : index
    %get3A_266 = arith.constant 0 : index
    %get3A_267 = vector.load %arg2[%get3A_264, %get3A_265, %get3A_266] : memref<9x64x64xf32, #tpu.memory_space<vmem>>, vector<1x64x64xf32>
    %get3A_268 = vector.shape_cast %get3A_267 : vector<1x64x64xf32> to vector<64x64xf32>
    %dot_general3A_269 = arith.constant dense<0.000000e+00> : vector<64x6720xf32>
    %dot_general3A_270 = tpu.matmul %get3A_268, %get3A_263, %dot_general3A_269 {dimension_numbers = #tpu.dot_dimension_numbers<[1], [0], [0], [1], [0, 0, 1, 1], [], []>, transpose_lhs_hint = false} : vector<64x64xf32>, vector<64x6720xf32>, vector<64x6720xf32> -> vector<64x6720xf32>
    %add3A_271 = arith.addf %add3A_258, %dot_general3A_270 : vector<64x6720xf32>
    %get3A_272 = arith.constant 0 : index
    %get3A_273 = arith.constant 0 : index
    %get3A_274 = arith.constant 31 : index
    %get3A_275 = vector.load %arg8[%get3A_272, %get3A_273, %get3A_274] : memref<3x64x6784xf32, #tpu.memory_space<vmem>>, vector<1x64x6720xf32>
    %get3A_276 = vector.shape_cast %get3A_275 : vector<1x64x6720xf32> to vector<64x6720xf32>
    %get3A_277 = arith.constant 3 : index
    %get3A_278 = arith.constant 0 : index
    %get3A_279 = arith.constant 0 : index
    %get3A_280 = vector.load %arg2[%get3A_277, %get3A_278, %get3A_279] : memref<9x64x64xf32, #tpu.memory_space<vmem>>, vector<1x64x64xf32>
    %get3A_281 = vector.shape_cast %get3A_280 : vector<1x64x64xf32> to vector<64x64xf32>
    %dot_general3A_282 = arith.constant dense<0.000000e+00> : vector<64x6720xf32>
    %dot_general3A_283 = tpu.matmul %get3A_281, %get3A_276, %dot_general3A_282 {dimension_numbers = #tpu.dot_dimension_numbers<[1], [0], [0], [1], [0, 0, 1, 1], [], []>, transpose_lhs_hint = false} : vector<64x64xf32>, vector<64x6720xf32>, vector<64x6720xf32> -> vector<64x6720xf32>
    %add3A_284 = arith.addf %add3A_271, %dot_general3A_283 : vector<64x6720xf32>
    %get3A_285 = arith.constant 1 : index
    %get3A_286 = arith.constant 0 : index
    %get3A_287 = arith.constant 32 : index
    %get3A_288 = vector.load %arg8[%get3A_285, %get3A_286, %get3A_287] : memref<3x64x6784xf32, #tpu.memory_space<vmem>>, vector<1x64x6720xf32>
    %get3A_289 = vector.shape_cast %get3A_288 : vector<1x64x6720xf32> to vector<64x6720xf32>
    %get3A_290 = arith.constant 4 : index
    %get3A_291 = arith.constant 0 : index
    %get3A_292 = arith.constant 0 : index
    %get3A_293 = vector.load %arg2[%get3A_290, %get3A_291, %get3A_292] : memref<9x64x64xf32, #tpu.memory_space<vmem>>, vector<1x64x64xf32>
    %get3A_294 = vector.shape_cast %get3A_293 : vector<1x64x64xf32> to vector<64x64xf32>
    %dot_general3A_295 = arith.constant dense<0.000000e+00> : vector<64x6720xf32>
    %dot_general3A_296 = tpu.matmul %get3A_294, %get3A_289, %dot_general3A_295 {dimension_numbers = #tpu.dot_dimension_numbers<[1], [0], [0], [1], [0, 0, 1, 1], [], []>, transpose_lhs_hint = false} : vector<64x64xf32>, vector<64x6720xf32>, vector<64x6720xf32> -> vector<64x6720xf32>
    %add3A_297 = arith.addf %add3A_284, %dot_general3A_296 : vector<64x6720xf32>
    %get3A_298 = arith.constant 2 : index
    %get3A_299 = arith.constant 0 : index
    %get3A_300 = arith.constant 33 : index
    %get3A_301 = vector.load %arg8[%get3A_298, %get3A_299, %get3A_300] : memref<3x64x6784xf32, #tpu.memory_space<vmem>>, vector<1x64x6720xf32>
    %get3A_302 = vector.shape_cast %get3A_301 : vector<1x64x6720xf32> to vector<64x6720xf32>
    %get3A_303 = arith.constant 5 : index
    %get3A_304 = arith.constant 0 : index
    %get3A_305 = arith.constant 0 : index
    %get3A_306 = vector.load %arg2[%get3A_303, %get3A_304, %get3A_305] : memref<9x64x64xf32, #tpu.memory_space<vmem>>, vector<1x64x64xf32>
    %get3A_307 = vector.shape_cast %get3A_306 : vector<1x64x64xf32> to vector<64x64xf32>
    %dot_general3A_308 = arith.constant dense<0.000000e+00> : vector<64x6720xf32>
    %dot_general3A_309 = tpu.matmul %get3A_307, %get3A_302, %dot_general3A_308 {dimension_numbers = #tpu.dot_dimension_numbers<[1], [0], [0], [1], [0, 0, 1, 1], [], []>, transpose_lhs_hint = false} : vector<64x64xf32>, vector<64x6720xf32>, vector<64x6720xf32> -> vector<64x6720xf32>
    %add3A_310 = arith.addf %add3A_297, %dot_general3A_309 : vector<64x6720xf32>
    %get3A_311 = arith.constant 0 : index
    %get3A_312 = arith.constant 0 : index
    %get3A_313 = arith.constant 59 : index
    %get3A_314 = vector.load %arg8[%get3A_311, %get3A_312, %get3A_313] : memref<3x64x6784xf32, #tpu.memory_space<vmem>>, vector<1x64x6720xf32>
    %get3A_315 = vector.shape_cast %get3A_314 : vector<1x64x6720xf32> to vector<64x6720xf32>
    %get3A_316 = arith.constant 6 : index
    %get3A_317 = arith.constant 0 : index
    %get3A_318 = arith.constant 0 : index
    %get3A_319 = vector.load %arg2[%get3A_316, %get3A_317, %get3A_318] : memref<9x64x64xf32, #tpu.memory_space<vmem>>, vector<1x64x64xf32>
    %get3A_320 = vector.shape_cast %get3A_319 : vector<1x64x64xf32> to vector<64x64xf32>
    %dot_general3A_321 = arith.constant dense<0.000000e+00> : vector<64x6720xf32>
    %dot_general3A_322 = tpu.matmul %get3A_320, %get3A_315, %dot_general3A_321 {dimension_numbers = #tpu.dot_dimension_numbers<[1], [0], [0], [1], [0, 0, 1, 1], [], []>, transpose_lhs_hint = false} : vector<64x64xf32>, vector<64x6720xf32>, vector<64x6720xf32> -> vector<64x6720xf32>
    %add3A_323 = arith.addf %add3A_310, %dot_general3A_322 : vector<64x6720xf32>
    %get3A_324 = arith.constant 1 : index
    %get3A_325 = arith.constant 0 : index
    %get3A_326 = arith.constant 60 : index
    %get3A_327 = vector.load %arg8[%get3A_324, %get3A_325, %get3A_326] : memref<3x64x6784xf32, #tpu.memory_space<vmem>>, vector<1x64x6720xf32>
    %get3A_328 = vector.shape_cast %get3A_327 : vector<1x64x6720xf32> to vector<64x6720xf32>
    %get3A_329 = arith.constant 7 : index
    %get3A_330 = arith.constant 0 : index
    %get3A_331 = arith.constant 0 : index
    %get3A_332 = vector.load %arg2[%get3A_329, %get3A_330, %get3A_331] : memref<9x64x64xf32, #tpu.memory_space<vmem>>, vector<1x64x64xf32>
    %get3A_333 = vector.shape_cast %get3A_332 : vector<1x64x64xf32> to vector<64x64xf32>
    %dot_general3A_334 = arith.constant dense<0.000000e+00> : vector<64x6720xf32>
    %dot_general3A_335 = tpu.matmul %get3A_333, %get3A_328, %dot_general3A_334 {dimension_numbers = #tpu.dot_dimension_numbers<[1], [0], [0], [1], [0, 0, 1, 1], [], []>, transpose_lhs_hint = false} : vector<64x64xf32>, vector<64x6720xf32>, vector<64x6720xf32> -> vector<64x6720xf32>
    %add3A_336 = arith.addf %add3A_323, %dot_general3A_335 : vector<64x6720xf32>
    %get3A_337 = arith.constant 2 : index
    %get3A_338 = arith.constant 0 : index
    %get3A_339 = arith.constant 61 : index
    %get3A_340 = vector.load %arg8[%get3A_337, %get3A_338, %get3A_339] : memref<3x64x6784xf32, #tpu.memory_space<vmem>>, vector<1x64x6720xf32>
    %get3A_341 = vector.shape_cast %get3A_340 : vector<1x64x6720xf32> to vector<64x6720xf32>
    %get3A_342 = arith.constant 8 : index
    %get3A_343 = arith.constant 0 : index
    %get3A_344 = arith.constant 0 : index
    %get3A_345 = vector.load %arg2[%get3A_342, %get3A_343, %get3A_344] : memref<9x64x64xf32, #tpu.memory_space<vmem>>, vector<1x64x64xf32>
    %get3A_346 = vector.shape_cast %get3A_345 : vector<1x64x64xf32> to vector<64x64xf32>
    %dot_general3A_347 = arith.constant dense<0.000000e+00> : vector<64x6720xf32>
    %dot_general3A_348 = tpu.matmul %get3A_346, %get3A_341, %dot_general3A_347 {dimension_numbers = #tpu.dot_dimension_numbers<[1], [0], [0], [1], [0, 0, 1, 1], [], []>, transpose_lhs_hint = false} : vector<64x64xf32>, vector<64x6720xf32>, vector<64x6720xf32> -> vector<64x6720xf32>
    %add3A_349 = arith.addf %add3A_336, %dot_general3A_348 : vector<64x6720xf32>
    %get3A_350 = arith.constant 0 : index
    %get3A_351 = arith.constant 0 : index
    %get3A_352 = vector.load %arg3[%get3A_350, %get3A_351] : memref<64x1xf32, #tpu.memory_space<vmem>>, vector<64x1xf32>
    %add3A_353 = vector.broadcast %get3A_352 : vector<64x1xf32> to vector<64x6720xf32>
    %add3A_354 = arith.addf %add3A_349, %add3A_353 : vector<64x6720xf32>
    %slice3A_355 = vector.extract_strided_slice %add3A_354 {offsets = [0, 0], sizes = [64, 784], strides = [1, 1]} : vector<64x6720xf32> to vector<64x784xf32>
    %swap3A_356 = arith.constant 0 : index
    %swap3A_357 = arith.constant 0 : index
    %swap3A_358 = arith.constant 0 : index
    %swap3A_359 = vector.load %arg6[%swap3A_356, %swap3A_357, %swap3A_358] : memref<8x64x784xf32, #tpu.memory_space<vmem>>, vector<1x64x784xf32>
    %swap3A_360 = vector.shape_cast %swap3A_359 : vector<1x64x784xf32> to vector<64x784xf32>
    %swap3A_361 = vector.shape_cast %slice3A_355 : vector<64x784xf32> to vector<1x64x784xf32>
    tpu.vector_store %arg6[%swap3A_356, %swap3A_357, %swap3A_358], %swap3A_361 {strides = array<i32>} : memref<8x64x784xf32, #tpu.memory_space<vmem>>, vector<1x64x784xf32>,
    %reduce_sum3A = arith.constant dense<0.000000e+00> : vector<64xf32>
    %reduce_sum3A_362 = vector.multi_reduction <add>, %slice3A_355, %reduce_sum3A [1] : vector<64x784xf32> to vector<64xf32>
    %mul3A_363 = arith.mulf %slice3A_355, %slice3A_355 : vector<64x784xf32>
    %reduce_sum3A_364 = arith.constant dense<0.000000e+00> : vector<64xf32>
    %reduce_sum3A_365 = vector.multi_reduction <add>, %mul3A_363, %reduce_sum3A_364 [1] : vector<64x784xf32> to vector<64xf32>
    %slice3A_366 = vector.extract_strided_slice %add3A_354 {offsets = [0, 848], sizes = [64, 784], strides = [1, 1]} : vector<64x6720xf32> to vector<64x784xf32>
    %swap3A_367 = arith.constant 1 : index
    %swap3A_368 = arith.constant 0 : index
    %swap3A_369 = arith.constant 0 : index
    %swap3A_370 = vector.load %arg6[%swap3A_367, %swap3A_368, %swap3A_369] : memref<8x64x784xf32, #tpu.memory_space<vmem>>, vector<1x64x784xf32>
    %swap3A_371 = vector.shape_cast %swap3A_370 : vector<1x64x784xf32> to vector<64x784xf32>
    %swap3A_372 = vector.shape_cast %slice3A_366 : vector<64x784xf32> to vector<1x64x784xf32>
    tpu.vector_store %arg6[%swap3A_367, %swap3A_368, %swap3A_369], %swap3A_372 {strides = array<i32>} : memref<8x64x784xf32, #tpu.memory_space<vmem>>, vector<1x64x784xf32>,
    %reduce_sum3A_373 = arith.constant dense<0.000000e+00> : vector<64xf32>
    %reduce_sum3A_374 = vector.multi_reduction <add>, %slice3A_366, %reduce_sum3A_373 [1] : vector<64x784xf32> to vector<64xf32>
    %mul3A_375 = arith.mulf %slice3A_366, %slice3A_366 : vector<64x784xf32>
    %reduce_sum3A_376 = arith.constant dense<0.000000e+00> : vector<64xf32>
    %reduce_sum3A_377 = vector.multi_reduction <add>, %mul3A_375, %reduce_sum3A_376 [1] : vector<64x784xf32> to vector<64xf32>
    %add3A_378 = arith.addf %reduce_sum3A_362, %reduce_sum3A_374 : vector<64xf32>
    %add3A_379 = arith.addf %reduce_sum3A_365, %reduce_sum3A_377 : vector<64xf32>
    %slice3A_380 = vector.extract_strided_slice %add3A_354 {offsets = [0, 1696], sizes = [64, 784], strides = [1, 1]} : vector<64x6720xf32> to vector<64x784xf32>
    %swap3A_381 = arith.constant 2 : index
    %swap3A_382 = arith.constant 0 : index
    %swap3A_383 = arith.constant 0 : index
    %swap3A_384 = vector.load %arg6[%swap3A_381, %swap3A_382, %swap3A_383] : memref<8x64x784xf32, #tpu.memory_space<vmem>>, vector<1x64x784xf32>
    %swap3A_385 = vector.shape_cast %swap3A_384 : vector<1x64x784xf32> to vector<64x784xf32>
    %swap3A_386 = vector.shape_cast %slice3A_380 : vector<64x784xf32> to vector<1x64x784xf32>
    tpu.vector_store %arg6[%swap3A_381, %swap3A_382, %swap3A_383], %swap3A_386 {strides = array<i32>} : memref<8x64x784xf32, #tpu.memory_space<vmem>>, vector<1x64x784xf32>,
    %reduce_sum3A_387 = arith.constant dense<0.000000e+00> : vector<64xf32>
    %reduce_sum3A_388 = vector.multi_reduction <add>, %slice3A_380, %reduce_sum3A_387 [1] : vector<64x784xf32> to vector<64xf32>
    %mul3A_389 = arith.mulf %slice3A_380, %slice3A_380 : vector<64x784xf32>
    %reduce_sum3A_390 = arith.constant dense<0.000000e+00> : vector<64xf32>
    %reduce_sum3A_391 = vector.multi_reduction <add>, %mul3A_389, %reduce_sum3A_390 [1] : vector<64x784xf32> to vector<64xf32>
    %add3A_392 = arith.addf %add3A_378, %reduce_sum3A_388 : vector<64xf32>
    %add3A_393 = arith.addf %add3A_379, %reduce_sum3A_391 : vector<64xf32>
    %slice3A_394 = vector.extract_strided_slice %add3A_354 {offsets = [0, 2544], sizes = [64, 784], strides = [1, 1]} : vector<64x6720xf32> to vector<64x784xf32>
    %swap3A_395 = arith.constant 3 : index
    %swap3A_396 = arith.constant 0 : index
    %swap3A_397 = arith.constant 0 : index
    %swap3A_398 = vector.load %arg6[%swap3A_395, %swap3A_396, %swap3A_397] : memref<8x64x784xf32, #tpu.memory_space<vmem>>, vector<1x64x784xf32>
    %swap3A_399 = vector.shape_cast %swap3A_398 : vector<1x64x784xf32> to vector<64x784xf32>
    %swap3A_400 = vector.shape_cast %slice3A_394 : vector<64x784xf32> to vector<1x64x784xf32>
    tpu.vector_store %arg6[%swap3A_395, %swap3A_396, %swap3A_397], %swap3A_400 {strides = array<i32>} : memref<8x64x784xf32, #tpu.memory_space<vmem>>, vector<1x64x784xf32>,
    %reduce_sum3A_401 = arith.constant dense<0.000000e+00> : vector<64xf32>
    %reduce_sum3A_402 = vector.multi_reduction <add>, %slice3A_394, %reduce_sum3A_401 [1] : vector<64x784xf32> to vector<64xf32>
    %mul3A_403 = arith.mulf %slice3A_394, %slice3A_394 : vector<64x784xf32>
    %reduce_sum3A_404 = arith.constant dense<0.000000e+00> : vector<64xf32>
    %reduce_sum3A_405 = vector.multi_reduction <add>, %mul3A_403, %reduce_sum3A_404 [1] : vector<64x784xf32> to vector<64xf32>
    %add3A_406 = arith.addf %add3A_392, %reduce_sum3A_402 : vector<64xf32>
    %add3A_407 = arith.addf %add3A_393, %reduce_sum3A_405 : vector<64xf32>
    %slice3A_408 = vector.extract_strided_slice %add3A_354 {offsets = [0, 3392], sizes = [64, 784], strides = [1, 1]} : vector<64x6720xf32> to vector<64x784xf32>
    %swap3A_409 = arith.constant 4 : index
    %swap3A_410 = arith.constant 0 : index
    %swap3A_411 = arith.constant 0 : index
    %swap3A_412 = vector.load %arg6[%swap3A_409, %swap3A_410, %swap3A_411] : memref<8x64x784xf32, #tpu.memory_space<vmem>>, vector<1x64x784xf32>
    %swap3A_413 = vector.shape_cast %swap3A_412 : vector<1x64x784xf32> to vector<64x784xf32>
    %swap3A_414 = vector.shape_cast %slice3A_408 : vector<64x784xf32> to vector<1x64x784xf32>
    tpu.vector_store %arg6[%swap3A_409, %swap3A_410, %swap3A_411], %swap3A_414 {strides = array<i32>} : memref<8x64x784xf32, #tpu.memory_space<vmem>>, vector<1x64x784xf32>,
    %reduce_sum3A_415 = arith.constant dense<0.000000e+00> : vector<64xf32>
    %reduce_sum3A_416 = vector.multi_reduction <add>, %slice3A_408, %reduce_sum3A_415 [1] : vector<64x784xf32> to vector<64xf32>
    %mul3A_417 = arith.mulf %slice3A_408, %slice3A_408 : vector<64x784xf32>
    %reduce_sum3A_418 = arith.constant dense<0.000000e+00> : vector<64xf32>
    %reduce_sum3A_419 = vector.multi_reduction <add>, %mul3A_417, %reduce_sum3A_418 [1] : vector<64x784xf32> to vector<64xf32>
    %add3A_420 = arith.addf %add3A_406, %reduce_sum3A_416 : vector<64xf32>
    %add3A_421 = arith.addf %add3A_407, %reduce_sum3A_419 : vector<64xf32>
    %slice3A_422 = vector.extract_strided_slice %add3A_354 {offsets = [0, 4240], sizes = [64, 784], strides = [1, 1]} : vector<64x6720xf32> to vector<64x784xf32>
    %swap3A_423 = arith.constant 5 : index
    %swap3A_424 = arith.constant 0 : index
    %swap3A_425 = arith.constant 0 : index
    %swap3A_426 = vector.load %arg6[%swap3A_423, %swap3A_424, %swap3A_425] : memref<8x64x784xf32, #tpu.memory_space<vmem>>, vector<1x64x784xf32>
    %swap3A_427 = vector.shape_cast %swap3A_426 : vector<1x64x784xf32> to vector<64x784xf32>
    %swap3A_428 = vector.shape_cast %slice3A_422 : vector<64x784xf32> to vector<1x64x784xf32>
    tpu.vector_store %arg6[%swap3A_423, %swap3A_424, %swap3A_425], %swap3A_428 {strides = array<i32>} : memref<8x64x784xf32, #tpu.memory_space<vmem>>, vector<1x64x784xf32>,
    %reduce_sum3A_429 = arith.constant dense<0.000000e+00> : vector<64xf32>
    %reduce_sum3A_430 = vector.multi_reduction <add>, %slice3A_422, %reduce_sum3A_429 [1] : vector<64x784xf32> to vector<64xf32>
    %mul3A_431 = arith.mulf %slice3A_422, %slice3A_422 : vector<64x784xf32>
    %reduce_sum3A_432 = arith.constant dense<0.000000e+00> : vector<64xf32>
    %reduce_sum3A_433 = vector.multi_reduction <add>, %mul3A_431, %reduce_sum3A_432 [1] : vector<64x784xf32> to vector<64xf32>
    %add3A_434 = arith.addf %add3A_420, %reduce_sum3A_430 : vector<64xf32>
    %add3A_435 = arith.addf %add3A_421, %reduce_sum3A_433 : vector<64xf32>
    %slice3A_436 = vector.extract_strided_slice %add3A_354 {offsets = [0, 5088], sizes = [64, 784], strides = [1, 1]} : vector<64x6720xf32> to vector<64x784xf32>
    %swap3A_437 = arith.constant 6 : index
    %swap3A_438 = arith.constant 0 : index
    %swap3A_439 = arith.constant 0 : index
    %swap3A_440 = vector.load %arg6[%swap3A_437, %swap3A_438, %swap3A_439] : memref<8x64x784xf32, #tpu.memory_space<vmem>>, vector<1x64x784xf32>
    %swap3A_441 = vector.shape_cast %swap3A_440 : vector<1x64x784xf32> to vector<64x784xf32>
    %swap3A_442 = vector.shape_cast %slice3A_436 : vector<64x784xf32> to vector<1x64x784xf32>
    tpu.vector_store %arg6[%swap3A_437, %swap3A_438, %swap3A_439], %swap3A_442 {strides = array<i32>} : memref<8x64x784xf32, #tpu.memory_space<vmem>>, vector<1x64x784xf32>,
    %reduce_sum3A_443 = arith.constant dense<0.000000e+00> : vector<64xf32>
    %reduce_sum3A_444 = vector.multi_reduction <add>, %slice3A_436, %reduce_sum3A_443 [1] : vector<64x784xf32> to vector<64xf32>
    %mul3A_445 = arith.mulf %slice3A_436, %slice3A_436 : vector<64x784xf32>
    %reduce_sum3A_446 = arith.constant dense<0.000000e+00> : vector<64xf32>
    %reduce_sum3A_447 = vector.multi_reduction <add>, %mul3A_445, %reduce_sum3A_446 [1] : vector<64x784xf32> to vector<64xf32>
    %add3A_448 = arith.addf %add3A_434, %reduce_sum3A_444 : vector<64xf32>
    %add3A_449 = arith.addf %add3A_435, %reduce_sum3A_447 : vector<64xf32>
    %slice3A_450 = vector.extract_strided_slice %add3A_354 {offsets = [0, 5936], sizes = [64, 784], strides = [1, 1]} : vector<64x6720xf32> to vector<64x784xf32>
    %swap3A_451 = arith.constant 7 : index
    %swap3A_452 = arith.constant 0 : index
    %swap3A_453 = arith.constant 0 : index
    %swap3A_454 = vector.load %arg6[%swap3A_451, %swap3A_452, %swap3A_453] : memref<8x64x784xf32, #tpu.memory_space<vmem>>, vector<1x64x784xf32>
    %swap3A_455 = vector.shape_cast %swap3A_454 : vector<1x64x784xf32> to vector<64x784xf32>
    %swap3A_456 = vector.shape_cast %slice3A_450 : vector<64x784xf32> to vector<1x64x784xf32>
    tpu.vector_store %arg6[%swap3A_451, %swap3A_452, %swap3A_453], %swap3A_456 {strides = array<i32>} : memref<8x64x784xf32, #tpu.memory_space<vmem>>, vector<1x64x784xf32>,
    %reduce_sum3A_457 = arith.constant dense<0.000000e+00> : vector<64xf32>
    %reduce_sum3A_458 = vector.multi_reduction <add>, %slice3A_450, %reduce_sum3A_457 [1] : vector<64x784xf32> to vector<64xf32>
    %mul3A_459 = arith.mulf %slice3A_450, %slice3A_450 : vector<64x784xf32>
    %reduce_sum3A_460 = arith.constant dense<0.000000e+00> : vector<64xf32>
    %reduce_sum3A_461 = vector.multi_reduction <add>, %mul3A_459, %reduce_sum3A_460 [1] : vector<64x784xf32> to vector<64xf32>
    %add3A_462 = arith.addf %add3A_448, %reduce_sum3A_458 : vector<64xf32>
    %add3A_463 = arith.addf %add3A_449, %reduce_sum3A_461 : vector<64xf32>
    %get3A_464 = arith.constant 0 : index
    %get3A_465 = arith.constant 0 : index
    %get3A_466 = vector.load %arg7[%get3A_464, %get3A_465] : memref<8x64xf32, #tpu.memory_space<vmem>>, vector<1x64xf32>
    %broadcast_in_dim3A_467 = vector.shape_cast %add3A_462 : vector<64xf32> to vector<1x64xf32>
    %add3A_468 = arith.addf %get3A_466, %broadcast_in_dim3A_467 : vector<1x64xf32>
    %swap3A_469 = arith.constant 0 : index
    %swap3A_470 = arith.constant 0 : index
    %swap3A_471 = vector.load %arg7[%swap3A_469, %swap3A_470] : memref<8x64xf32, #tpu.memory_space<vmem>>, vector<1x64xf32>
    tpu.vector_store %arg7[%swap3A_469, %swap3A_470], %add3A_468 {strides = array<i32>} : memref<8x64xf32, #tpu.memory_space<vmem>>, vector<1x64xf32>,
    %get3A_472 = arith.constant 1 : index
    %get3A_473 = arith.constant 0 : index
    %get3A_474 = vector.load %arg7[%get3A_472, %get3A_473] : memref<8x64xf32, #tpu.memory_space<vmem>>, vector<1x64xf32>
    %broadcast_in_dim3A_475 = vector.shape_cast %add3A_463 : vector<64xf32> to vector<1x64xf32>
    %add3A_476 = arith.addf %get3A_474, %broadcast_in_dim3A_475 : vector<1x64xf32>
    %swap3A_477 = arith.constant 1 : index
    %swap3A_478 = arith.constant 0 : index
    %swap3A_479 = vector.load %arg7[%swap3A_477, %swap3A_478] : memref<8x64xf32, #tpu.memory_space<vmem>>, vector<1x64xf32>
    tpu.vector_store %arg7[%swap3A_477, %swap3A_478], %add3A_476 {strides = array<i32>} : memref<8x64xf32, #tpu.memory_space<vmem>>, vector<1x64xf32>,
    return
  }
  func.func @transform_0(%arg0: i32) -> (i32, i32, i32) {
    %c0_i32 = arith.constant 0 : i32
    %c0_i32_0 = arith.constant 0 : i32
    %c0_i32_1 = arith.constant 0 : i32
    return %arg0, %c0_i32, %c0_i32_0 : i32, i32, i32
  }
  func.func @transform_1(%arg0: i32) -> (i32, i32, i32) {
    %c0_i32 = arith.constant 0 : i32
    %c0_i32_0 = arith.constant 0 : i32
    %c0_i32_1 = arith.constant 0 : i32
    %c0_i32_2 = arith.constant 0 : i32
    return %c0_i32, %c0_i32_0, %c0_i32_1 : i32, i32, i32
  }
  func.func @transform_2(%arg0: i32) -> (i32, i32) {
    %c0_i32 = arith.constant 0 : i32
    %c0_i32_0 = arith.constant 0 : i32
    %c0_i32_1 = arith.constant 0 : i32
    return %c0_i32, %c0_i32_0 : i32, i32
  }
  func.func @transform_3(%arg0: i32) -> (i32, i32) {
    %c0_i32 = arith.constant 0 : i32
    %c0_i32_0 = arith.constant 0 : i32
    %c0_i32_1 = arith.constant 0 : i32
    return %c0_i32, %c0_i32_0 : i32, i32
  }
  func.func @transform_4(%arg0: i32) -> (i32, i32) {
    %c0_i32 = arith.constant 0 : i32
    %c0_i32_0 = arith.constant 0 : i32
    %c0_i32_1 = arith.constant 0 : i32
    return %c0_i32, %c0_i32_0 : i32, i32
  }
  func.func @transform_5(%arg0: i32) -> (i32, i32, i32) {
    %c0_i32 = arith.constant 0 : i32
    %c0_i32_0 = arith.constant 0 : i32
    %c0_i32_1 = arith.constant 0 : i32
    return %arg0, %c0_i32, %c0_i32_0 : i32, i32, i32
  }
  func.func @transform_6(%arg0: i32) -> (i32, i32) {
    %c0_i32 = arith.constant 0 : i32
    %c0_i32_0 = arith.constant 0 : i32
    %c0_i32_1 = arith.constant 0 : i32
    return %c0_i32, %c0_i32_0 : i32, i32
  }
}

module attributes {stable_mosaic.version = 14 : i64} {
  func.func @_conv_body(%arg0: i32, %arg1: memref<8x64x784xf32, #tpu.memory_space<vmem>>, %arg2: memref<9x64x64xf32, #tpu.memory_space<vmem>>, %arg3: memref<64x1xf32, #tpu.memory_space<vmem>>, %arg4: memref<64x1xf32, #tpu.memory_space<vmem>>, %arg5: memref<64x1xf32, #tpu.memory_space<vmem>>, %arg6: memref<64x8x784xf32, #tpu.memory_space<vmem>>, %arg7: memref<8x64xf32, #tpu.memory_space<vmem>>, %arg8: memref<3x64x6784xf32, #tpu.memory_space<vmem>>) attributes {dimension_semantics = [#tpu.dimension_semantics<arbitrary>], iteration_bounds = array<i64: 64>, scalar_prefetch = 0 : i64, scratch_operands = 1 : i64, tpu.core_type = #tpu.core_type<tc>, window_params = [{transform_indices = @transform_0, window_bounds = array<i64: 8, 64, 784>}, {pipeline_mode = #tpu.pipeline_mode<synchronous>, transform_indices = @transform_1, window_bounds = array<i64: 9, 64, 64>}, {pipeline_mode = #tpu.pipeline_mode<synchronous>, transform_indices = @transform_2, window_bounds = array<i64: 64, 1>}, {pipeline_mode = #tpu.pipeline_mode<synchronous>, transform_indices = @transform_3, window_bounds = array<i64: 64, 1>}, {pipeline_mode = #tpu.pipeline_mode<synchronous>, transform_indices = @transform_4, window_bounds = array<i64: 64, 1>}, {transform_indices = @transform_5, window_bounds = array<i64: 64, 8, 784>}, {pipeline_mode = #tpu.pipeline_mode<synchronous>, transform_indices = @transform_6, window_bounds = array<i64: 8, 64>}]} {
    %eq3A = arith.constant 0 : i32
    %eq3A_0 = arith.cmpi eq, %arg0, %eq3A : i32
    %convert_element_type3A = arith.extui %eq3A_0 : i1 to i32
    %cond3A = arith.constant 0 : i32
    %cond3A_1 = arith.cmpi ne, %convert_element_type3A, %cond3A : i32
    scf.if %cond3A_1 {
      %broadcast_in_dim3A_482 = arith.constant 0.000000e+00 : f32
      %broadcast_in_dim3A_483 = vector.broadcast %broadcast_in_dim3A_482 : f32 to vector<8x64xf32>
      %swap3A_484 = arith.constant 0 : index
      %swap3A_485 = arith.constant 0 : index
      %swap3A_486 = vector.load %arg7[%swap3A_484, %swap3A_485] : memref<8x64xf32, #tpu.memory_space<vmem>>, vector<8x64xf32>
      tpu.vector_store %arg7[%swap3A_484, %swap3A_485], %broadcast_in_dim3A_483 {strides = array<i32>} : memref<8x64xf32, #tpu.memory_space<vmem>>, vector<8x64xf32>,
      %broadcast_in_dim3A_487 = arith.constant 0.000000e+00 : f32
      %broadcast_in_dim3A_488 = vector.broadcast %broadcast_in_dim3A_487 : f32 to vector<3x64x6784xf32>
      %swap3A_489 = arith.constant 0 : index
      %swap3A_490 = arith.constant 0 : index
      %swap3A_491 = arith.constant 0 : index
      %swap3A_492 = vector.load %arg8[%swap3A_489, %swap3A_490, %swap3A_491] : memref<3x64x6784xf32, #tpu.memory_space<vmem>>, vector<3x64x6784xf32>
      tpu.vector_store %arg8[%swap3A_489, %swap3A_490, %swap3A_491], %broadcast_in_dim3A_488 {strides = array<i32>} : memref<3x64x6784xf32, #tpu.memory_space<vmem>>, vector<3x64x6784xf32>,
    } else {
    }
    %get3A = arith.constant 0 : index
    %get3A_2 = arith.constant 0 : index
    %get3A_3 = arith.constant 0 : index
    %get3A_4 = vector.load %arg1[%get3A, %get3A_2, %get3A_3] : memref<8x64x784xf32, #tpu.memory_space<vmem>>, vector<8x64x784xf32>
    %get3A_5 = arith.constant 0 : index
    %get3A_6 = arith.constant 0 : index
    %get3A_7 = vector.load %arg4[%get3A_5, %get3A_6] : memref<64x1xf32, #tpu.memory_space<vmem>>, vector<64x1xf32>
    %broadcast_in_dim3A = vector.shape_cast %get3A_7 : vector<64x1xf32> to vector<1x64x1xf32>
    %get3A_8 = arith.constant 0 : index
    %get3A_9 = arith.constant 0 : index
    %get3A_10 = vector.load %arg5[%get3A_8, %get3A_9] : memref<64x1xf32, #tpu.memory_space<vmem>>, vector<64x1xf32>
    %broadcast_in_dim3A_11 = vector.shape_cast %get3A_10 : vector<64x1xf32> to vector<1x64x1xf32>
    %mul3A = vector.broadcast %broadcast_in_dim3A : vector<1x64x1xf32> to vector<8x64x784xf32>
    %mul3A_12 = arith.mulf %get3A_4, %mul3A : vector<8x64x784xf32>
    %add3A = vector.broadcast %broadcast_in_dim3A_11 : vector<1x64x1xf32> to vector<8x64x784xf32>
    %add3A_13 = arith.addf %mul3A_12, %add3A : vector<8x64x784xf32>
    %max3A = arith.constant 0.000000e+00 : f32
    %max3A_14 = vector.broadcast %max3A : f32 to vector<8x64x784xf32>
    %max3A_15 = arith.maximumf %add3A_13, %max3A_14 : vector<8x64x784xf32>
    %iota3A = tpu.iota {dimensions = array<i32: 1>} : vector<1x784xi32>
    %jit3A = arith.constant 28 : i32
    %eq3A_16 = arith.constant 0 : i32
    %eq3A_17 = arith.cmpi eq, %jit3A, %eq3A_16 : i32
    %jit3A_18 = arith.constant 1 : i32
    %select_n3A = arith.select %eq3A_17, %jit3A_18, %jit3A : i32
    %rem3A = vector.broadcast %select_n3A : i32 to vector<1x784xi32>
    %rem3A_19 = arith.remsi %iota3A, %rem3A : vector<1x784xi32>
    %ne3A = arith.constant 0 : i32
    %ne3A_20 = vector.broadcast %ne3A : i32 to vector<1x784xi32>
    %ne3A_21 = arith.cmpi ne, %rem3A_19, %ne3A_20 : vector<1x784xi32>
    %lt3A = arith.constant 0 : i32
    %lt3A_22 = vector.broadcast %lt3A : i32 to vector<1x784xi32>
    %lt3A_23 = arith.cmpi slt, %rem3A_19, %lt3A_22 : vector<1x784xi32>
    %lt3A_24 = arith.constant 0 : i32
    %lt3A_25 = arith.cmpi slt, %select_n3A, %lt3A_24 : i32
    %ne3A_26 = vector.broadcast %lt3A_25 : i1 to vector<1x784xi1>
    %ne3A_27 = vector.broadcast %ne3A_26 : vector<1x784xi1> to vector<1x784xi1>
    %ne3A_28 = arith.xori %lt3A_23, %ne3A_27 : vector<1x784xi1>
    %and3A = arith.andi %ne3A_28, %ne3A_21 : vector<1x784xi1>
    %add3A_29 = vector.broadcast %select_n3A : i32 to vector<1x784xi32>
    %add3A_30 = arith.addi %rem3A_19, %add3A_29 : vector<1x784xi32>
    %select_n3A_31 = arith.select %and3A, %add3A_30, %rem3A_19 : vector<1x784xi1>, vector<1x784xi32>
    %eq3A_32 = arith.constant 27 : i32
    %eq3A_33 = vector.broadcast %eq3A_32 : i32 to vector<1x784xi32>
    %eq3A_34 = arith.cmpi eq, %select_n3A_31, %eq3A_33 : vector<1x784xi32>
    %jit3A_35 = arith.constant 0.000000e+00 : f32
    %jit3A_36 = arith.constant 1.000000e+00 : f32
    %broadcast_in_dim3A_37 = vector.broadcast %jit3A_35 : f32 to vector<1x784xf32>
    %broadcast_in_dim3A_38 = vector.broadcast %jit3A_36 : f32 to vector<1x784xf32>
    %select_n3A_39 = arith.select %eq3A_34, %broadcast_in_dim3A_37, %broadcast_in_dim3A_38 : vector<1x784xi1>, vector<1x784xf32>
    %eq3A_40 = arith.constant 0 : i32
    %eq3A_41 = vector.broadcast %eq3A_40 : i32 to vector<1x784xi32>
    %eq3A_42 = arith.cmpi eq, %select_n3A_31, %eq3A_41 : vector<1x784xi32>
    %jit3A_43 = arith.constant 0.000000e+00 : f32
    %jit3A_44 = arith.constant 1.000000e+00 : f32
    %broadcast_in_dim3A_45 = vector.broadcast %jit3A_43 : f32 to vector<1x784xf32>
    %broadcast_in_dim3A_46 = vector.broadcast %jit3A_44 : f32 to vector<1x784xf32>
    %select_n3A_47 = arith.select %eq3A_42, %broadcast_in_dim3A_45, %broadcast_in_dim3A_46 : vector<1x784xi1>, vector<1x784xf32>
    %slice3A = vector.extract_strided_slice %max3A_15 {offsets = [0, 0, 0], sizes = [1, 64, 784], strides = [1, 1, 1]} : vector<8x64x784xf32> to vector<1x64x784xf32>
    %squeeze3A = vector.shape_cast %slice3A : vector<1x64x784xf32> to vector<64x784xf32>
    %mul3A_48 = vector.broadcast %select_n3A_39 : vector<1x784xf32> to vector<64x784xf32>
    %mul3A_49 = arith.mulf %squeeze3A, %mul3A_48 : vector<64x784xf32>
    %swap3A = arith.constant 0 : index
    %swap3A_50 = arith.constant 0 : index
    %swap3A_51 = arith.constant 32 : index
    %swap3A_52 = vector.load %arg8[%swap3A, %swap3A_50, %swap3A_51] : memref<3x64x6784xf32, #tpu.memory_space<vmem>>, vector<1x64x784xf32>
    %swap3A_53 = vector.shape_cast %swap3A_52 : vector<1x64x784xf32> to vector<64x784xf32>
    %swap3A_54 = vector.shape_cast %mul3A_49 : vector<64x784xf32> to vector<1x64x784xf32>
    tpu.vector_store %arg8[%swap3A, %swap3A_50, %swap3A_51], %swap3A_54 {strides = array<i32>} : memref<3x64x6784xf32, #tpu.memory_space<vmem>>, vector<1x64x784xf32>,
    %swap3A_55 = arith.constant 1 : index
    %swap3A_56 = arith.constant 0 : index
    %swap3A_57 = arith.constant 32 : index
    %swap3A_58 = vector.load %arg8[%swap3A_55, %swap3A_56, %swap3A_57] : memref<3x64x6784xf32, #tpu.memory_space<vmem>>, vector<1x64x784xf32>
    %swap3A_59 = vector.shape_cast %swap3A_58 : vector<1x64x784xf32> to vector<64x784xf32>
    %swap3A_60 = vector.shape_cast %squeeze3A : vector<64x784xf32> to vector<1x64x784xf32>
    tpu.vector_store %arg8[%swap3A_55, %swap3A_56, %swap3A_57], %swap3A_60 {strides = array<i32>} : memref<3x64x6784xf32, #tpu.memory_space<vmem>>, vector<1x64x784xf32>,
    %mul3A_61 = vector.broadcast %select_n3A_47 : vector<1x784xf32> to vector<64x784xf32>
    %mul3A_62 = arith.mulf %squeeze3A, %mul3A_61 : vector<64x784xf32>
    %swap3A_63 = arith.constant 2 : index
    %swap3A_64 = arith.constant 0 : index
    %swap3A_65 = arith.constant 32 : index
    %swap3A_66 = vector.load %arg8[%swap3A_63, %swap3A_64, %swap3A_65] : memref<3x64x6784xf32, #tpu.memory_space<vmem>>, vector<1x64x784xf32>
    %swap3A_67 = vector.shape_cast %swap3A_66 : vector<1x64x784xf32> to vector<64x784xf32>
    %swap3A_68 = vector.shape_cast %mul3A_62 : vector<64x784xf32> to vector<1x64x784xf32>
    tpu.vector_store %arg8[%swap3A_63, %swap3A_64, %swap3A_65], %swap3A_68 {strides = array<i32>} : memref<3x64x6784xf32, #tpu.memory_space<vmem>>, vector<1x64x784xf32>,
    %slice3A_69 = vector.extract_strided_slice %max3A_15 {offsets = [1, 0, 0], sizes = [1, 64, 784], strides = [1, 1, 1]} : vector<8x64x784xf32> to vector<1x64x784xf32>
    %squeeze3A_70 = vector.shape_cast %slice3A_69 : vector<1x64x784xf32> to vector<64x784xf32>
    %mul3A_71 = vector.broadcast %select_n3A_39 : vector<1x784xf32> to vector<64x784xf32>
    %mul3A_72 = arith.mulf %squeeze3A_70, %mul3A_71 : vector<64x784xf32>
    %swap3A_73 = arith.constant 0 : index
    %swap3A_74 = arith.constant 0 : index
    %swap3A_75 = arith.constant 880 : index
    %swap3A_76 = vector.load %arg8[%swap3A_73, %swap3A_74, %swap3A_75] : memref<3x64x6784xf32, #tpu.memory_space<vmem>>, vector<1x64x784xf32>
    %swap3A_77 = vector.shape_cast %swap3A_76 : vector<1x64x784xf32> to vector<64x784xf32>
    %swap3A_78 = vector.shape_cast %mul3A_72 : vector<64x784xf32> to vector<1x64x784xf32>
    tpu.vector_store %arg8[%swap3A_73, %swap3A_74, %swap3A_75], %swap3A_78 {strides = array<i32>} : memref<3x64x6784xf32, #tpu.memory_space<vmem>>, vector<1x64x784xf32>,
    %swap3A_79 = arith.constant 1 : index
    %swap3A_80 = arith.constant 0 : index
    %swap3A_81 = arith.constant 880 : index
    %swap3A_82 = vector.load %arg8[%swap3A_79, %swap3A_80, %swap3A_81] : memref<3x64x6784xf32, #tpu.memory_space<vmem>>, vector<1x64x784xf32>
    %swap3A_83 = vector.shape_cast %swap3A_82 : vector<1x64x784xf32> to vector<64x784xf32>
    %swap3A_84 = vector.shape_cast %squeeze3A_70 : vector<64x784xf32> to vector<1x64x784xf32>
    tpu.vector_store %arg8[%swap3A_79, %swap3A_80, %swap3A_81], %swap3A_84 {strides = array<i32>} : memref<3x64x6784xf32, #tpu.memory_space<vmem>>, vector<1x64x784xf32>,
    %mul3A_85 = vector.broadcast %select_n3A_47 : vector<1x784xf32> to vector<64x784xf32>
    %mul3A_86 = arith.mulf %squeeze3A_70, %mul3A_85 : vector<64x784xf32>
    %swap3A_87 = arith.constant 2 : index
    %swap3A_88 = arith.constant 0 : index
    %swap3A_89 = arith.constant 880 : index
    %swap3A_90 = vector.load %arg8[%swap3A_87, %swap3A_88, %swap3A_89] : memref<3x64x6784xf32, #tpu.memory_space<vmem>>, vector<1x64x784xf32>
    %swap3A_91 = vector.shape_cast %swap3A_90 : vector<1x64x784xf32> to vector<64x784xf32>
    %swap3A_92 = vector.shape_cast %mul3A_86 : vector<64x784xf32> to vector<1x64x784xf32>
    tpu.vector_store %arg8[%swap3A_87, %swap3A_88, %swap3A_89], %swap3A_92 {strides = array<i32>} : memref<3x64x6784xf32, #tpu.memory_space<vmem>>, vector<1x64x784xf32>,
    %slice3A_93 = vector.extract_strided_slice %max3A_15 {offsets = [2, 0, 0], sizes = [1, 64, 784], strides = [1, 1, 1]} : vector<8x64x784xf32> to vector<1x64x784xf32>
    %squeeze3A_94 = vector.shape_cast %slice3A_93 : vector<1x64x784xf32> to vector<64x784xf32>
    %mul3A_95 = vector.broadcast %select_n3A_39 : vector<1x784xf32> to vector<64x784xf32>
    %mul3A_96 = arith.mulf %squeeze3A_94, %mul3A_95 : vector<64x784xf32>
    %swap3A_97 = arith.constant 0 : index
    %swap3A_98 = arith.constant 0 : index
    %swap3A_99 = arith.constant 1728 : index
    %swap3A_100 = vector.load %arg8[%swap3A_97, %swap3A_98, %swap3A_99] : memref<3x64x6784xf32, #tpu.memory_space<vmem>>, vector<1x64x784xf32>
    %swap3A_101 = vector.shape_cast %swap3A_100 : vector<1x64x784xf32> to vector<64x784xf32>
    %swap3A_102 = vector.shape_cast %mul3A_96 : vector<64x784xf32> to vector<1x64x784xf32>
    tpu.vector_store %arg8[%swap3A_97, %swap3A_98, %swap3A_99], %swap3A_102 {strides = array<i32>} : memref<3x64x6784xf32, #tpu.memory_space<vmem>>, vector<1x64x784xf32>,
    %swap3A_103 = arith.constant 1 : index
    %swap3A_104 = arith.constant 0 : index
    %swap3A_105 = arith.constant 1728 : index
    %swap3A_106 = vector.load %arg8[%swap3A_103, %swap3A_104, %swap3A_105] : memref<3x64x6784xf32, #tpu.memory_space<vmem>>, vector<1x64x784xf32>
    %swap3A_107 = vector.shape_cast %swap3A_106 : vector<1x64x784xf32> to vector<64x784xf32>
    %swap3A_108 = vector.shape_cast %squeeze3A_94 : vector<64x784xf32> to vector<1x64x784xf32>
    tpu.vector_store %arg8[%swap3A_103, %swap3A_104, %swap3A_105], %swap3A_108 {strides = array<i32>} : memref<3x64x6784xf32, #tpu.memory_space<vmem>>, vector<1x64x784xf32>,
    %mul3A_109 = vector.broadcast %select_n3A_47 : vector<1x784xf32> to vector<64x784xf32>
    %mul3A_110 = arith.mulf %squeeze3A_94, %mul3A_109 : vector<64x784xf32>
    %swap3A_111 = arith.constant 2 : index
    %swap3A_112 = arith.constant 0 : index
    %swap3A_113 = arith.constant 1728 : index
    %swap3A_114 = vector.load %arg8[%swap3A_111, %swap3A_112, %swap3A_113] : memref<3x64x6784xf32, #tpu.memory_space<vmem>>, vector<1x64x784xf32>
    %swap3A_115 = vector.shape_cast %swap3A_114 : vector<1x64x784xf32> to vector<64x784xf32>
    %swap3A_116 = vector.shape_cast %mul3A_110 : vector<64x784xf32> to vector<1x64x784xf32>
    tpu.vector_store %arg8[%swap3A_111, %swap3A_112, %swap3A_113], %swap3A_116 {strides = array<i32>} : memref<3x64x6784xf32, #tpu.memory_space<vmem>>, vector<1x64x784xf32>,
    %slice3A_117 = vector.extract_strided_slice %max3A_15 {offsets = [3, 0, 0], sizes = [1, 64, 784], strides = [1, 1, 1]} : vector<8x64x784xf32> to vector<1x64x784xf32>
    %squeeze3A_118 = vector.shape_cast %slice3A_117 : vector<1x64x784xf32> to vector<64x784xf32>
    %mul3A_119 = vector.broadcast %select_n3A_39 : vector<1x784xf32> to vector<64x784xf32>
    %mul3A_120 = arith.mulf %squeeze3A_118, %mul3A_119 : vector<64x784xf32>
    %swap3A_121 = arith.constant 0 : index
    %swap3A_122 = arith.constant 0 : index
    %swap3A_123 = arith.constant 2576 : index
    %swap3A_124 = vector.load %arg8[%swap3A_121, %swap3A_122, %swap3A_123] : memref<3x64x6784xf32, #tpu.memory_space<vmem>>, vector<1x64x784xf32>
    %swap3A_125 = vector.shape_cast %swap3A_124 : vector<1x64x784xf32> to vector<64x784xf32>
    %swap3A_126 = vector.shape_cast %mul3A_120 : vector<64x784xf32> to vector<1x64x784xf32>
    tpu.vector_store %arg8[%swap3A_121, %swap3A_122, %swap3A_123], %swap3A_126 {strides = array<i32>} : memref<3x64x6784xf32, #tpu.memory_space<vmem>>, vector<1x64x784xf32>,
    %swap3A_127 = arith.constant 1 : index
    %swap3A_128 = arith.constant 0 : index
    %swap3A_129 = arith.constant 2576 : index
    %swap3A_130 = vector.load %arg8[%swap3A_127, %swap3A_128, %swap3A_129] : memref<3x64x6784xf32, #tpu.memory_space<vmem>>, vector<1x64x784xf32>
    %swap3A_131 = vector.shape_cast %swap3A_130 : vector<1x64x784xf32> to vector<64x784xf32>
    %swap3A_132 = vector.shape_cast %squeeze3A_118 : vector<64x784xf32> to vector<1x64x784xf32>
    tpu.vector_store %arg8[%swap3A_127, %swap3A_128, %swap3A_129], %swap3A_132 {strides = array<i32>} : memref<3x64x6784xf32, #tpu.memory_space<vmem>>, vector<1x64x784xf32>,
    %mul3A_133 = vector.broadcast %select_n3A_47 : vector<1x784xf32> to vector<64x784xf32>
    %mul3A_134 = arith.mulf %squeeze3A_118, %mul3A_133 : vector<64x784xf32>
    %swap3A_135 = arith.constant 2 : index
    %swap3A_136 = arith.constant 0 : index
    %swap3A_137 = arith.constant 2576 : index
    %swap3A_138 = vector.load %arg8[%swap3A_135, %swap3A_136, %swap3A_137] : memref<3x64x6784xf32, #tpu.memory_space<vmem>>, vector<1x64x784xf32>
    %swap3A_139 = vector.shape_cast %swap3A_138 : vector<1x64x784xf32> to vector<64x784xf32>
    %swap3A_140 = vector.shape_cast %mul3A_134 : vector<64x784xf32> to vector<1x64x784xf32>
    tpu.vector_store %arg8[%swap3A_135, %swap3A_136, %swap3A_137], %swap3A_140 {strides = array<i32>} : memref<3x64x6784xf32, #tpu.memory_space<vmem>>, vector<1x64x784xf32>,
    %slice3A_141 = vector.extract_strided_slice %max3A_15 {offsets = [4, 0, 0], sizes = [1, 64, 784], strides = [1, 1, 1]} : vector<8x64x784xf32> to vector<1x64x784xf32>
    %squeeze3A_142 = vector.shape_cast %slice3A_141 : vector<1x64x784xf32> to vector<64x784xf32>
    %mul3A_143 = vector.broadcast %select_n3A_39 : vector<1x784xf32> to vector<64x784xf32>
    %mul3A_144 = arith.mulf %squeeze3A_142, %mul3A_143 : vector<64x784xf32>
    %swap3A_145 = arith.constant 0 : index
    %swap3A_146 = arith.constant 0 : index
    %swap3A_147 = arith.constant 3424 : index
    %swap3A_148 = vector.load %arg8[%swap3A_145, %swap3A_146, %swap3A_147] : memref<3x64x6784xf32, #tpu.memory_space<vmem>>, vector<1x64x784xf32>
    %swap3A_149 = vector.shape_cast %swap3A_148 : vector<1x64x784xf32> to vector<64x784xf32>
    %swap3A_150 = vector.shape_cast %mul3A_144 : vector<64x784xf32> to vector<1x64x784xf32>
    tpu.vector_store %arg8[%swap3A_145, %swap3A_146, %swap3A_147], %swap3A_150 {strides = array<i32>} : memref<3x64x6784xf32, #tpu.memory_space<vmem>>, vector<1x64x784xf32>,
    %swap3A_151 = arith.constant 1 : index
    %swap3A_152 = arith.constant 0 : index
    %swap3A_153 = arith.constant 3424 : index
    %swap3A_154 = vector.load %arg8[%swap3A_151, %swap3A_152, %swap3A_153] : memref<3x64x6784xf32, #tpu.memory_space<vmem>>, vector<1x64x784xf32>
    %swap3A_155 = vector.shape_cast %swap3A_154 : vector<1x64x784xf32> to vector<64x784xf32>
    %swap3A_156 = vector.shape_cast %squeeze3A_142 : vector<64x784xf32> to vector<1x64x784xf32>
    tpu.vector_store %arg8[%swap3A_151, %swap3A_152, %swap3A_153], %swap3A_156 {strides = array<i32>} : memref<3x64x6784xf32, #tpu.memory_space<vmem>>, vector<1x64x784xf32>,
    %mul3A_157 = vector.broadcast %select_n3A_47 : vector<1x784xf32> to vector<64x784xf32>
    %mul3A_158 = arith.mulf %squeeze3A_142, %mul3A_157 : vector<64x784xf32>
    %swap3A_159 = arith.constant 2 : index
    %swap3A_160 = arith.constant 0 : index
    %swap3A_161 = arith.constant 3424 : index
    %swap3A_162 = vector.load %arg8[%swap3A_159, %swap3A_160, %swap3A_161] : memref<3x64x6784xf32, #tpu.memory_space<vmem>>, vector<1x64x784xf32>
    %swap3A_163 = vector.shape_cast %swap3A_162 : vector<1x64x784xf32> to vector<64x784xf32>
    %swap3A_164 = vector.shape_cast %mul3A_158 : vector<64x784xf32> to vector<1x64x784xf32>
    tpu.vector_store %arg8[%swap3A_159, %swap3A_160, %swap3A_161], %swap3A_164 {strides = array<i32>} : memref<3x64x6784xf32, #tpu.memory_space<vmem>>, vector<1x64x784xf32>,
    %slice3A_165 = vector.extract_strided_slice %max3A_15 {offsets = [5, 0, 0], sizes = [1, 64, 784], strides = [1, 1, 1]} : vector<8x64x784xf32> to vector<1x64x784xf32>
    %squeeze3A_166 = vector.shape_cast %slice3A_165 : vector<1x64x784xf32> to vector<64x784xf32>
    %mul3A_167 = vector.broadcast %select_n3A_39 : vector<1x784xf32> to vector<64x784xf32>
    %mul3A_168 = arith.mulf %squeeze3A_166, %mul3A_167 : vector<64x784xf32>
    %swap3A_169 = arith.constant 0 : index
    %swap3A_170 = arith.constant 0 : index
    %swap3A_171 = arith.constant 4272 : index
    %swap3A_172 = vector.load %arg8[%swap3A_169, %swap3A_170, %swap3A_171] : memref<3x64x6784xf32, #tpu.memory_space<vmem>>, vector<1x64x784xf32>
    %swap3A_173 = vector.shape_cast %swap3A_172 : vector<1x64x784xf32> to vector<64x784xf32>
    %swap3A_174 = vector.shape_cast %mul3A_168 : vector<64x784xf32> to vector<1x64x784xf32>
    tpu.vector_store %arg8[%swap3A_169, %swap3A_170, %swap3A_171], %swap3A_174 {strides = array<i32>} : memref<3x64x6784xf32, #tpu.memory_space<vmem>>, vector<1x64x784xf32>,
    %swap3A_175 = arith.constant 1 : index
    %swap3A_176 = arith.constant 0 : index
    %swap3A_177 = arith.constant 4272 : index
    %swap3A_178 = vector.load %arg8[%swap3A_175, %swap3A_176, %swap3A_177] : memref<3x64x6784xf32, #tpu.memory_space<vmem>>, vector<1x64x784xf32>
    %swap3A_179 = vector.shape_cast %swap3A_178 : vector<1x64x784xf32> to vector<64x784xf32>
    %swap3A_180 = vector.shape_cast %squeeze3A_166 : vector<64x784xf32> to vector<1x64x784xf32>
    tpu.vector_store %arg8[%swap3A_175, %swap3A_176, %swap3A_177], %swap3A_180 {strides = array<i32>} : memref<3x64x6784xf32, #tpu.memory_space<vmem>>, vector<1x64x784xf32>,
    %mul3A_181 = vector.broadcast %select_n3A_47 : vector<1x784xf32> to vector<64x784xf32>
    %mul3A_182 = arith.mulf %squeeze3A_166, %mul3A_181 : vector<64x784xf32>
    %swap3A_183 = arith.constant 2 : index
    %swap3A_184 = arith.constant 0 : index
    %swap3A_185 = arith.constant 4272 : index
    %swap3A_186 = vector.load %arg8[%swap3A_183, %swap3A_184, %swap3A_185] : memref<3x64x6784xf32, #tpu.memory_space<vmem>>, vector<1x64x784xf32>
    %swap3A_187 = vector.shape_cast %swap3A_186 : vector<1x64x784xf32> to vector<64x784xf32>
    %swap3A_188 = vector.shape_cast %mul3A_182 : vector<64x784xf32> to vector<1x64x784xf32>
    tpu.vector_store %arg8[%swap3A_183, %swap3A_184, %swap3A_185], %swap3A_188 {strides = array<i32>} : memref<3x64x6784xf32, #tpu.memory_space<vmem>>, vector<1x64x784xf32>,
    %slice3A_189 = vector.extract_strided_slice %max3A_15 {offsets = [6, 0, 0], sizes = [1, 64, 784], strides = [1, 1, 1]} : vector<8x64x784xf32> to vector<1x64x784xf32>
    %squeeze3A_190 = vector.shape_cast %slice3A_189 : vector<1x64x784xf32> to vector<64x784xf32>
    %mul3A_191 = vector.broadcast %select_n3A_39 : vector<1x784xf32> to vector<64x784xf32>
    %mul3A_192 = arith.mulf %squeeze3A_190, %mul3A_191 : vector<64x784xf32>
    %swap3A_193 = arith.constant 0 : index
    %swap3A_194 = arith.constant 0 : index
    %swap3A_195 = arith.constant 5120 : index
    %swap3A_196 = vector.load %arg8[%swap3A_193, %swap3A_194, %swap3A_195] : memref<3x64x6784xf32, #tpu.memory_space<vmem>>, vector<1x64x784xf32>
    %swap3A_197 = vector.shape_cast %swap3A_196 : vector<1x64x784xf32> to vector<64x784xf32>
    %swap3A_198 = vector.shape_cast %mul3A_192 : vector<64x784xf32> to vector<1x64x784xf32>
    tpu.vector_store %arg8[%swap3A_193, %swap3A_194, %swap3A_195], %swap3A_198 {strides = array<i32>} : memref<3x64x6784xf32, #tpu.memory_space<vmem>>, vector<1x64x784xf32>,
    %swap3A_199 = arith.constant 1 : index
    %swap3A_200 = arith.constant 0 : index
    %swap3A_201 = arith.constant 5120 : index
    %swap3A_202 = vector.load %arg8[%swap3A_199, %swap3A_200, %swap3A_201] : memref<3x64x6784xf32, #tpu.memory_space<vmem>>, vector<1x64x784xf32>
    %swap3A_203 = vector.shape_cast %swap3A_202 : vector<1x64x784xf32> to vector<64x784xf32>
    %swap3A_204 = vector.shape_cast %squeeze3A_190 : vector<64x784xf32> to vector<1x64x784xf32>
    tpu.vector_store %arg8[%swap3A_199, %swap3A_200, %swap3A_201], %swap3A_204 {strides = array<i32>} : memref<3x64x6784xf32, #tpu.memory_space<vmem>>, vector<1x64x784xf32>,
    %mul3A_205 = vector.broadcast %select_n3A_47 : vector<1x784xf32> to vector<64x784xf32>
    %mul3A_206 = arith.mulf %squeeze3A_190, %mul3A_205 : vector<64x784xf32>
    %swap3A_207 = arith.constant 2 : index
    %swap3A_208 = arith.constant 0 : index
    %swap3A_209 = arith.constant 5120 : index
    %swap3A_210 = vector.load %arg8[%swap3A_207, %swap3A_208, %swap3A_209] : memref<3x64x6784xf32, #tpu.memory_space<vmem>>, vector<1x64x784xf32>
    %swap3A_211 = vector.shape_cast %swap3A_210 : vector<1x64x784xf32> to vector<64x784xf32>
    %swap3A_212 = vector.shape_cast %mul3A_206 : vector<64x784xf32> to vector<1x64x784xf32>
    tpu.vector_store %arg8[%swap3A_207, %swap3A_208, %swap3A_209], %swap3A_212 {strides = array<i32>} : memref<3x64x6784xf32, #tpu.memory_space<vmem>>, vector<1x64x784xf32>,
    %slice3A_213 = vector.extract_strided_slice %max3A_15 {offsets = [7, 0, 0], sizes = [1, 64, 784], strides = [1, 1, 1]} : vector<8x64x784xf32> to vector<1x64x784xf32>
    %squeeze3A_214 = vector.shape_cast %slice3A_213 : vector<1x64x784xf32> to vector<64x784xf32>
    %mul3A_215 = vector.broadcast %select_n3A_39 : vector<1x784xf32> to vector<64x784xf32>
    %mul3A_216 = arith.mulf %squeeze3A_214, %mul3A_215 : vector<64x784xf32>
    %swap3A_217 = arith.constant 0 : index
    %swap3A_218 = arith.constant 0 : index
    %swap3A_219 = arith.constant 5968 : index
    %swap3A_220 = vector.load %arg8[%swap3A_217, %swap3A_218, %swap3A_219] : memref<3x64x6784xf32, #tpu.memory_space<vmem>>, vector<1x64x784xf32>
    %swap3A_221 = vector.shape_cast %swap3A_220 : vector<1x64x784xf32> to vector<64x784xf32>
    %swap3A_222 = vector.shape_cast %mul3A_216 : vector<64x784xf32> to vector<1x64x784xf32>
    tpu.vector_store %arg8[%swap3A_217, %swap3A_218, %swap3A_219], %swap3A_222 {strides = array<i32>} : memref<3x64x6784xf32, #tpu.memory_space<vmem>>, vector<1x64x784xf32>,
    %swap3A_223 = arith.constant 1 : index
    %swap3A_224 = arith.constant 0 : index
    %swap3A_225 = arith.constant 5968 : index
    %swap3A_226 = vector.load %arg8[%swap3A_223, %swap3A_224, %swap3A_225] : memref<3x64x6784xf32, #tpu.memory_space<vmem>>, vector<1x64x784xf32>
    %swap3A_227 = vector.shape_cast %swap3A_226 : vector<1x64x784xf32> to vector<64x784xf32>
    %swap3A_228 = vector.shape_cast %squeeze3A_214 : vector<64x784xf32> to vector<1x64x784xf32>
    tpu.vector_store %arg8[%swap3A_223, %swap3A_224, %swap3A_225], %swap3A_228 {strides = array<i32>} : memref<3x64x6784xf32, #tpu.memory_space<vmem>>, vector<1x64x784xf32>,
    %mul3A_229 = vector.broadcast %select_n3A_47 : vector<1x784xf32> to vector<64x784xf32>
    %mul3A_230 = arith.mulf %squeeze3A_214, %mul3A_229 : vector<64x784xf32>
    %swap3A_231 = arith.constant 2 : index
    %swap3A_232 = arith.constant 0 : index
    %swap3A_233 = arith.constant 5968 : index
    %swap3A_234 = vector.load %arg8[%swap3A_231, %swap3A_232, %swap3A_233] : memref<3x64x6784xf32, #tpu.memory_space<vmem>>, vector<1x64x784xf32>
    %swap3A_235 = vector.shape_cast %swap3A_234 : vector<1x64x784xf32> to vector<64x784xf32>
    %swap3A_236 = vector.shape_cast %mul3A_230 : vector<64x784xf32> to vector<1x64x784xf32>
    tpu.vector_store %arg8[%swap3A_231, %swap3A_232, %swap3A_233], %swap3A_236 {strides = array<i32>} : memref<3x64x6784xf32, #tpu.memory_space<vmem>>, vector<1x64x784xf32>,
    %get3A_237 = arith.constant 0 : index
    %get3A_238 = arith.constant 0 : index
    %get3A_239 = arith.constant 3 : index
    %get3A_240 = vector.load %arg8[%get3A_237, %get3A_238, %get3A_239] : memref<3x64x6784xf32, #tpu.memory_space<vmem>>, vector<1x64x6720xf32>
    %get3A_241 = vector.shape_cast %get3A_240 : vector<1x64x6720xf32> to vector<64x6720xf32>
    %get3A_242 = arith.constant 0 : index
    %get3A_243 = arith.constant 0 : index
    %get3A_244 = arith.constant 0 : index
    %get3A_245 = vector.load %arg2[%get3A_242, %get3A_243, %get3A_244] : memref<9x64x64xf32, #tpu.memory_space<vmem>>, vector<1x64x64xf32>
    %get3A_246 = vector.shape_cast %get3A_245 : vector<1x64x64xf32> to vector<64x64xf32>
    %dot_general3A = arith.constant dense<0.000000e+00> : vector<64x6720xf32>
    %dot_general3A_247 = tpu.matmul %get3A_246, %get3A_241, %dot_general3A {dimension_numbers = #tpu.dot_dimension_numbers<[1], [0], [0], [1], [0, 0, 1, 1], [], []>, transpose_lhs_hint = false} : vector<64x64xf32>, vector<64x6720xf32>, vector<64x6720xf32> -> vector<64x6720xf32>
    %get3A_248 = arith.constant 1 : index
    %get3A_249 = arith.constant 0 : index
    %get3A_250 = arith.constant 4 : index
    %get3A_251 = vector.load %arg8[%get3A_248, %get3A_249, %get3A_250] : memref<3x64x6784xf32, #tpu.memory_space<vmem>>, vector<1x64x6720xf32>
    %get3A_252 = vector.shape_cast %get3A_251 : vector<1x64x6720xf32> to vector<64x6720xf32>
    %get3A_253 = arith.constant 1 : index
    %get3A_254 = arith.constant 0 : index
    %get3A_255 = arith.constant 0 : index
    %get3A_256 = vector.load %arg2[%get3A_253, %get3A_254, %get3A_255] : memref<9x64x64xf32, #tpu.memory_space<vmem>>, vector<1x64x64xf32>
    %get3A_257 = vector.shape_cast %get3A_256 : vector<1x64x64xf32> to vector<64x64xf32>
    %dot_general3A_258 = arith.constant dense<0.000000e+00> : vector<64x6720xf32>
    %dot_general3A_259 = tpu.matmul %get3A_257, %get3A_252, %dot_general3A_258 {dimension_numbers = #tpu.dot_dimension_numbers<[1], [0], [0], [1], [0, 0, 1, 1], [], []>, transpose_lhs_hint = false} : vector<64x64xf32>, vector<64x6720xf32>, vector<64x6720xf32> -> vector<64x6720xf32>
    %add3A_260 = arith.addf %dot_general3A_247, %dot_general3A_259 : vector<64x6720xf32>
    %get3A_261 = arith.constant 2 : index
    %get3A_262 = arith.constant 0 : index
    %get3A_263 = arith.constant 5 : index
    %get3A_264 = vector.load %arg8[%get3A_261, %get3A_262, %get3A_263] : memref<3x64x6784xf32, #tpu.memory_space<vmem>>, vector<1x64x6720xf32>
    %get3A_265 = vector.shape_cast %get3A_264 : vector<1x64x6720xf32> to vector<64x6720xf32>
    %get3A_266 = arith.constant 2 : index
    %get3A_267 = arith.constant 0 : index
    %get3A_268 = arith.constant 0 : index
    %get3A_269 = vector.load %arg2[%get3A_266, %get3A_267, %get3A_268] : memref<9x64x64xf32, #tpu.memory_space<vmem>>, vector<1x64x64xf32>
    %get3A_270 = vector.shape_cast %get3A_269 : vector<1x64x64xf32> to vector<64x64xf32>
    %dot_general3A_271 = arith.constant dense<0.000000e+00> : vector<64x6720xf32>
    %dot_general3A_272 = tpu.matmul %get3A_270, %get3A_265, %dot_general3A_271 {dimension_numbers = #tpu.dot_dimension_numbers<[1], [0], [0], [1], [0, 0, 1, 1], [], []>, transpose_lhs_hint = false} : vector<64x64xf32>, vector<64x6720xf32>, vector<64x6720xf32> -> vector<64x6720xf32>
    %add3A_273 = arith.addf %add3A_260, %dot_general3A_272 : vector<64x6720xf32>
    %get3A_274 = arith.constant 0 : index
    %get3A_275 = arith.constant 0 : index
    %get3A_276 = arith.constant 31 : index
    %get3A_277 = vector.load %arg8[%get3A_274, %get3A_275, %get3A_276] : memref<3x64x6784xf32, #tpu.memory_space<vmem>>, vector<1x64x6720xf32>
    %get3A_278 = vector.shape_cast %get3A_277 : vector<1x64x6720xf32> to vector<64x6720xf32>
    %get3A_279 = arith.constant 3 : index
    %get3A_280 = arith.constant 0 : index
    %get3A_281 = arith.constant 0 : index
    %get3A_282 = vector.load %arg2[%get3A_279, %get3A_280, %get3A_281] : memref<9x64x64xf32, #tpu.memory_space<vmem>>, vector<1x64x64xf32>
    %get3A_283 = vector.shape_cast %get3A_282 : vector<1x64x64xf32> to vector<64x64xf32>
    %dot_general3A_284 = arith.constant dense<0.000000e+00> : vector<64x6720xf32>
    %dot_general3A_285 = tpu.matmul %get3A_283, %get3A_278, %dot_general3A_284 {dimension_numbers = #tpu.dot_dimension_numbers<[1], [0], [0], [1], [0, 0, 1, 1], [], []>, transpose_lhs_hint = false} : vector<64x64xf32>, vector<64x6720xf32>, vector<64x6720xf32> -> vector<64x6720xf32>
    %add3A_286 = arith.addf %add3A_273, %dot_general3A_285 : vector<64x6720xf32>
    %get3A_287 = arith.constant 1 : index
    %get3A_288 = arith.constant 0 : index
    %get3A_289 = arith.constant 32 : index
    %get3A_290 = vector.load %arg8[%get3A_287, %get3A_288, %get3A_289] : memref<3x64x6784xf32, #tpu.memory_space<vmem>>, vector<1x64x6720xf32>
    %get3A_291 = vector.shape_cast %get3A_290 : vector<1x64x6720xf32> to vector<64x6720xf32>
    %get3A_292 = arith.constant 4 : index
    %get3A_293 = arith.constant 0 : index
    %get3A_294 = arith.constant 0 : index
    %get3A_295 = vector.load %arg2[%get3A_292, %get3A_293, %get3A_294] : memref<9x64x64xf32, #tpu.memory_space<vmem>>, vector<1x64x64xf32>
    %get3A_296 = vector.shape_cast %get3A_295 : vector<1x64x64xf32> to vector<64x64xf32>
    %dot_general3A_297 = arith.constant dense<0.000000e+00> : vector<64x6720xf32>
    %dot_general3A_298 = tpu.matmul %get3A_296, %get3A_291, %dot_general3A_297 {dimension_numbers = #tpu.dot_dimension_numbers<[1], [0], [0], [1], [0, 0, 1, 1], [], []>, transpose_lhs_hint = false} : vector<64x64xf32>, vector<64x6720xf32>, vector<64x6720xf32> -> vector<64x6720xf32>
    %add3A_299 = arith.addf %add3A_286, %dot_general3A_298 : vector<64x6720xf32>
    %get3A_300 = arith.constant 2 : index
    %get3A_301 = arith.constant 0 : index
    %get3A_302 = arith.constant 33 : index
    %get3A_303 = vector.load %arg8[%get3A_300, %get3A_301, %get3A_302] : memref<3x64x6784xf32, #tpu.memory_space<vmem>>, vector<1x64x6720xf32>
    %get3A_304 = vector.shape_cast %get3A_303 : vector<1x64x6720xf32> to vector<64x6720xf32>
    %get3A_305 = arith.constant 5 : index
    %get3A_306 = arith.constant 0 : index
    %get3A_307 = arith.constant 0 : index
    %get3A_308 = vector.load %arg2[%get3A_305, %get3A_306, %get3A_307] : memref<9x64x64xf32, #tpu.memory_space<vmem>>, vector<1x64x64xf32>
    %get3A_309 = vector.shape_cast %get3A_308 : vector<1x64x64xf32> to vector<64x64xf32>
    %dot_general3A_310 = arith.constant dense<0.000000e+00> : vector<64x6720xf32>
    %dot_general3A_311 = tpu.matmul %get3A_309, %get3A_304, %dot_general3A_310 {dimension_numbers = #tpu.dot_dimension_numbers<[1], [0], [0], [1], [0, 0, 1, 1], [], []>, transpose_lhs_hint = false} : vector<64x64xf32>, vector<64x6720xf32>, vector<64x6720xf32> -> vector<64x6720xf32>
    %add3A_312 = arith.addf %add3A_299, %dot_general3A_311 : vector<64x6720xf32>
    %get3A_313 = arith.constant 0 : index
    %get3A_314 = arith.constant 0 : index
    %get3A_315 = arith.constant 59 : index
    %get3A_316 = vector.load %arg8[%get3A_313, %get3A_314, %get3A_315] : memref<3x64x6784xf32, #tpu.memory_space<vmem>>, vector<1x64x6720xf32>
    %get3A_317 = vector.shape_cast %get3A_316 : vector<1x64x6720xf32> to vector<64x6720xf32>
    %get3A_318 = arith.constant 6 : index
    %get3A_319 = arith.constant 0 : index
    %get3A_320 = arith.constant 0 : index
    %get3A_321 = vector.load %arg2[%get3A_318, %get3A_319, %get3A_320] : memref<9x64x64xf32, #tpu.memory_space<vmem>>, vector<1x64x64xf32>
    %get3A_322 = vector.shape_cast %get3A_321 : vector<1x64x64xf32> to vector<64x64xf32>
    %dot_general3A_323 = arith.constant dense<0.000000e+00> : vector<64x6720xf32>
    %dot_general3A_324 = tpu.matmul %get3A_322, %get3A_317, %dot_general3A_323 {dimension_numbers = #tpu.dot_dimension_numbers<[1], [0], [0], [1], [0, 0, 1, 1], [], []>, transpose_lhs_hint = false} : vector<64x64xf32>, vector<64x6720xf32>, vector<64x6720xf32> -> vector<64x6720xf32>
    %add3A_325 = arith.addf %add3A_312, %dot_general3A_324 : vector<64x6720xf32>
    %get3A_326 = arith.constant 1 : index
    %get3A_327 = arith.constant 0 : index
    %get3A_328 = arith.constant 60 : index
    %get3A_329 = vector.load %arg8[%get3A_326, %get3A_327, %get3A_328] : memref<3x64x6784xf32, #tpu.memory_space<vmem>>, vector<1x64x6720xf32>
    %get3A_330 = vector.shape_cast %get3A_329 : vector<1x64x6720xf32> to vector<64x6720xf32>
    %get3A_331 = arith.constant 7 : index
    %get3A_332 = arith.constant 0 : index
    %get3A_333 = arith.constant 0 : index
    %get3A_334 = vector.load %arg2[%get3A_331, %get3A_332, %get3A_333] : memref<9x64x64xf32, #tpu.memory_space<vmem>>, vector<1x64x64xf32>
    %get3A_335 = vector.shape_cast %get3A_334 : vector<1x64x64xf32> to vector<64x64xf32>
    %dot_general3A_336 = arith.constant dense<0.000000e+00> : vector<64x6720xf32>
    %dot_general3A_337 = tpu.matmul %get3A_335, %get3A_330, %dot_general3A_336 {dimension_numbers = #tpu.dot_dimension_numbers<[1], [0], [0], [1], [0, 0, 1, 1], [], []>, transpose_lhs_hint = false} : vector<64x64xf32>, vector<64x6720xf32>, vector<64x6720xf32> -> vector<64x6720xf32>
    %add3A_338 = arith.addf %add3A_325, %dot_general3A_337 : vector<64x6720xf32>
    %get3A_339 = arith.constant 2 : index
    %get3A_340 = arith.constant 0 : index
    %get3A_341 = arith.constant 61 : index
    %get3A_342 = vector.load %arg8[%get3A_339, %get3A_340, %get3A_341] : memref<3x64x6784xf32, #tpu.memory_space<vmem>>, vector<1x64x6720xf32>
    %get3A_343 = vector.shape_cast %get3A_342 : vector<1x64x6720xf32> to vector<64x6720xf32>
    %get3A_344 = arith.constant 8 : index
    %get3A_345 = arith.constant 0 : index
    %get3A_346 = arith.constant 0 : index
    %get3A_347 = vector.load %arg2[%get3A_344, %get3A_345, %get3A_346] : memref<9x64x64xf32, #tpu.memory_space<vmem>>, vector<1x64x64xf32>
    %get3A_348 = vector.shape_cast %get3A_347 : vector<1x64x64xf32> to vector<64x64xf32>
    %dot_general3A_349 = arith.constant dense<0.000000e+00> : vector<64x6720xf32>
    %dot_general3A_350 = tpu.matmul %get3A_348, %get3A_343, %dot_general3A_349 {dimension_numbers = #tpu.dot_dimension_numbers<[1], [0], [0], [1], [0, 0, 1, 1], [], []>, transpose_lhs_hint = false} : vector<64x64xf32>, vector<64x6720xf32>, vector<64x6720xf32> -> vector<64x6720xf32>
    %add3A_351 = arith.addf %add3A_338, %dot_general3A_350 : vector<64x6720xf32>
    %get3A_352 = arith.constant 0 : index
    %get3A_353 = arith.constant 0 : index
    %get3A_354 = vector.load %arg3[%get3A_352, %get3A_353] : memref<64x1xf32, #tpu.memory_space<vmem>>, vector<64x1xf32>
    %add3A_355 = vector.broadcast %get3A_354 : vector<64x1xf32> to vector<64x6720xf32>
    %add3A_356 = arith.addf %add3A_351, %add3A_355 : vector<64x6720xf32>
    %slice3A_357 = vector.extract_strided_slice %add3A_356 {offsets = [0, 0], sizes = [64, 784], strides = [1, 1]} : vector<64x6720xf32> to vector<64x784xf32>
    %swap3A_358 = arith.constant 0 : index
    %swap3A_359 = arith.constant 0 : index
    %swap3A_360 = arith.constant 0 : index
    %swap3A_361 = vector.load %arg6[%swap3A_358, %swap3A_359, %swap3A_360] : memref<64x8x784xf32, #tpu.memory_space<vmem>>, vector<64x1x784xf32>
    %swap3A_362 = vector.shape_cast %swap3A_361 : vector<64x1x784xf32> to vector<64x784xf32>
    %swap3A_363 = vector.shape_cast %slice3A_357 : vector<64x784xf32> to vector<64x1x784xf32>
    tpu.vector_store %arg6[%swap3A_358, %swap3A_359, %swap3A_360], %swap3A_363 {strides = array<i32>} : memref<64x8x784xf32, #tpu.memory_space<vmem>>, vector<64x1x784xf32>,
    %reduce_sum3A = arith.constant dense<0.000000e+00> : vector<64xf32>
    %reduce_sum3A_364 = vector.multi_reduction <add>, %slice3A_357, %reduce_sum3A [1] : vector<64x784xf32> to vector<64xf32>
    %mul3A_365 = arith.mulf %slice3A_357, %slice3A_357 : vector<64x784xf32>
    %reduce_sum3A_366 = arith.constant dense<0.000000e+00> : vector<64xf32>
    %reduce_sum3A_367 = vector.multi_reduction <add>, %mul3A_365, %reduce_sum3A_366 [1] : vector<64x784xf32> to vector<64xf32>
    %slice3A_368 = vector.extract_strided_slice %add3A_356 {offsets = [0, 848], sizes = [64, 784], strides = [1, 1]} : vector<64x6720xf32> to vector<64x784xf32>
    %swap3A_369 = arith.constant 0 : index
    %swap3A_370 = arith.constant 1 : index
    %swap3A_371 = arith.constant 0 : index
    %swap3A_372 = vector.load %arg6[%swap3A_369, %swap3A_370, %swap3A_371] : memref<64x8x784xf32, #tpu.memory_space<vmem>>, vector<64x1x784xf32>
    %swap3A_373 = vector.shape_cast %swap3A_372 : vector<64x1x784xf32> to vector<64x784xf32>
    %swap3A_374 = vector.shape_cast %slice3A_368 : vector<64x784xf32> to vector<64x1x784xf32>
    tpu.vector_store %arg6[%swap3A_369, %swap3A_370, %swap3A_371], %swap3A_374 {strides = array<i32>} : memref<64x8x784xf32, #tpu.memory_space<vmem>>, vector<64x1x784xf32>,
    %reduce_sum3A_375 = arith.constant dense<0.000000e+00> : vector<64xf32>
    %reduce_sum3A_376 = vector.multi_reduction <add>, %slice3A_368, %reduce_sum3A_375 [1] : vector<64x784xf32> to vector<64xf32>
    %mul3A_377 = arith.mulf %slice3A_368, %slice3A_368 : vector<64x784xf32>
    %reduce_sum3A_378 = arith.constant dense<0.000000e+00> : vector<64xf32>
    %reduce_sum3A_379 = vector.multi_reduction <add>, %mul3A_377, %reduce_sum3A_378 [1] : vector<64x784xf32> to vector<64xf32>
    %add3A_380 = arith.addf %reduce_sum3A_364, %reduce_sum3A_376 : vector<64xf32>
    %add3A_381 = arith.addf %reduce_sum3A_367, %reduce_sum3A_379 : vector<64xf32>
    %slice3A_382 = vector.extract_strided_slice %add3A_356 {offsets = [0, 1696], sizes = [64, 784], strides = [1, 1]} : vector<64x6720xf32> to vector<64x784xf32>
    %swap3A_383 = arith.constant 0 : index
    %swap3A_384 = arith.constant 2 : index
    %swap3A_385 = arith.constant 0 : index
    %swap3A_386 = vector.load %arg6[%swap3A_383, %swap3A_384, %swap3A_385] : memref<64x8x784xf32, #tpu.memory_space<vmem>>, vector<64x1x784xf32>
    %swap3A_387 = vector.shape_cast %swap3A_386 : vector<64x1x784xf32> to vector<64x784xf32>
    %swap3A_388 = vector.shape_cast %slice3A_382 : vector<64x784xf32> to vector<64x1x784xf32>
    tpu.vector_store %arg6[%swap3A_383, %swap3A_384, %swap3A_385], %swap3A_388 {strides = array<i32>} : memref<64x8x784xf32, #tpu.memory_space<vmem>>, vector<64x1x784xf32>,
    %reduce_sum3A_389 = arith.constant dense<0.000000e+00> : vector<64xf32>
    %reduce_sum3A_390 = vector.multi_reduction <add>, %slice3A_382, %reduce_sum3A_389 [1] : vector<64x784xf32> to vector<64xf32>
    %mul3A_391 = arith.mulf %slice3A_382, %slice3A_382 : vector<64x784xf32>
    %reduce_sum3A_392 = arith.constant dense<0.000000e+00> : vector<64xf32>
    %reduce_sum3A_393 = vector.multi_reduction <add>, %mul3A_391, %reduce_sum3A_392 [1] : vector<64x784xf32> to vector<64xf32>
    %add3A_394 = arith.addf %add3A_380, %reduce_sum3A_390 : vector<64xf32>
    %add3A_395 = arith.addf %add3A_381, %reduce_sum3A_393 : vector<64xf32>
    %slice3A_396 = vector.extract_strided_slice %add3A_356 {offsets = [0, 2544], sizes = [64, 784], strides = [1, 1]} : vector<64x6720xf32> to vector<64x784xf32>
    %swap3A_397 = arith.constant 0 : index
    %swap3A_398 = arith.constant 3 : index
    %swap3A_399 = arith.constant 0 : index
    %swap3A_400 = vector.load %arg6[%swap3A_397, %swap3A_398, %swap3A_399] : memref<64x8x784xf32, #tpu.memory_space<vmem>>, vector<64x1x784xf32>
    %swap3A_401 = vector.shape_cast %swap3A_400 : vector<64x1x784xf32> to vector<64x784xf32>
    %swap3A_402 = vector.shape_cast %slice3A_396 : vector<64x784xf32> to vector<64x1x784xf32>
    tpu.vector_store %arg6[%swap3A_397, %swap3A_398, %swap3A_399], %swap3A_402 {strides = array<i32>} : memref<64x8x784xf32, #tpu.memory_space<vmem>>, vector<64x1x784xf32>,
    %reduce_sum3A_403 = arith.constant dense<0.000000e+00> : vector<64xf32>
    %reduce_sum3A_404 = vector.multi_reduction <add>, %slice3A_396, %reduce_sum3A_403 [1] : vector<64x784xf32> to vector<64xf32>
    %mul3A_405 = arith.mulf %slice3A_396, %slice3A_396 : vector<64x784xf32>
    %reduce_sum3A_406 = arith.constant dense<0.000000e+00> : vector<64xf32>
    %reduce_sum3A_407 = vector.multi_reduction <add>, %mul3A_405, %reduce_sum3A_406 [1] : vector<64x784xf32> to vector<64xf32>
    %add3A_408 = arith.addf %add3A_394, %reduce_sum3A_404 : vector<64xf32>
    %add3A_409 = arith.addf %add3A_395, %reduce_sum3A_407 : vector<64xf32>
    %slice3A_410 = vector.extract_strided_slice %add3A_356 {offsets = [0, 3392], sizes = [64, 784], strides = [1, 1]} : vector<64x6720xf32> to vector<64x784xf32>
    %swap3A_411 = arith.constant 0 : index
    %swap3A_412 = arith.constant 4 : index
    %swap3A_413 = arith.constant 0 : index
    %swap3A_414 = vector.load %arg6[%swap3A_411, %swap3A_412, %swap3A_413] : memref<64x8x784xf32, #tpu.memory_space<vmem>>, vector<64x1x784xf32>
    %swap3A_415 = vector.shape_cast %swap3A_414 : vector<64x1x784xf32> to vector<64x784xf32>
    %swap3A_416 = vector.shape_cast %slice3A_410 : vector<64x784xf32> to vector<64x1x784xf32>
    tpu.vector_store %arg6[%swap3A_411, %swap3A_412, %swap3A_413], %swap3A_416 {strides = array<i32>} : memref<64x8x784xf32, #tpu.memory_space<vmem>>, vector<64x1x784xf32>,
    %reduce_sum3A_417 = arith.constant dense<0.000000e+00> : vector<64xf32>
    %reduce_sum3A_418 = vector.multi_reduction <add>, %slice3A_410, %reduce_sum3A_417 [1] : vector<64x784xf32> to vector<64xf32>
    %mul3A_419 = arith.mulf %slice3A_410, %slice3A_410 : vector<64x784xf32>
    %reduce_sum3A_420 = arith.constant dense<0.000000e+00> : vector<64xf32>
    %reduce_sum3A_421 = vector.multi_reduction <add>, %mul3A_419, %reduce_sum3A_420 [1] : vector<64x784xf32> to vector<64xf32>
    %add3A_422 = arith.addf %add3A_408, %reduce_sum3A_418 : vector<64xf32>
    %add3A_423 = arith.addf %add3A_409, %reduce_sum3A_421 : vector<64xf32>
    %slice3A_424 = vector.extract_strided_slice %add3A_356 {offsets = [0, 4240], sizes = [64, 784], strides = [1, 1]} : vector<64x6720xf32> to vector<64x784xf32>
    %swap3A_425 = arith.constant 0 : index
    %swap3A_426 = arith.constant 5 : index
    %swap3A_427 = arith.constant 0 : index
    %swap3A_428 = vector.load %arg6[%swap3A_425, %swap3A_426, %swap3A_427] : memref<64x8x784xf32, #tpu.memory_space<vmem>>, vector<64x1x784xf32>
    %swap3A_429 = vector.shape_cast %swap3A_428 : vector<64x1x784xf32> to vector<64x784xf32>
    %swap3A_430 = vector.shape_cast %slice3A_424 : vector<64x784xf32> to vector<64x1x784xf32>
    tpu.vector_store %arg6[%swap3A_425, %swap3A_426, %swap3A_427], %swap3A_430 {strides = array<i32>} : memref<64x8x784xf32, #tpu.memory_space<vmem>>, vector<64x1x784xf32>,
    %reduce_sum3A_431 = arith.constant dense<0.000000e+00> : vector<64xf32>
    %reduce_sum3A_432 = vector.multi_reduction <add>, %slice3A_424, %reduce_sum3A_431 [1] : vector<64x784xf32> to vector<64xf32>
    %mul3A_433 = arith.mulf %slice3A_424, %slice3A_424 : vector<64x784xf32>
    %reduce_sum3A_434 = arith.constant dense<0.000000e+00> : vector<64xf32>
    %reduce_sum3A_435 = vector.multi_reduction <add>, %mul3A_433, %reduce_sum3A_434 [1] : vector<64x784xf32> to vector<64xf32>
    %add3A_436 = arith.addf %add3A_422, %reduce_sum3A_432 : vector<64xf32>
    %add3A_437 = arith.addf %add3A_423, %reduce_sum3A_435 : vector<64xf32>
    %slice3A_438 = vector.extract_strided_slice %add3A_356 {offsets = [0, 5088], sizes = [64, 784], strides = [1, 1]} : vector<64x6720xf32> to vector<64x784xf32>
    %swap3A_439 = arith.constant 0 : index
    %swap3A_440 = arith.constant 6 : index
    %swap3A_441 = arith.constant 0 : index
    %swap3A_442 = vector.load %arg6[%swap3A_439, %swap3A_440, %swap3A_441] : memref<64x8x784xf32, #tpu.memory_space<vmem>>, vector<64x1x784xf32>
    %swap3A_443 = vector.shape_cast %swap3A_442 : vector<64x1x784xf32> to vector<64x784xf32>
    %swap3A_444 = vector.shape_cast %slice3A_438 : vector<64x784xf32> to vector<64x1x784xf32>
    tpu.vector_store %arg6[%swap3A_439, %swap3A_440, %swap3A_441], %swap3A_444 {strides = array<i32>} : memref<64x8x784xf32, #tpu.memory_space<vmem>>, vector<64x1x784xf32>,
    %reduce_sum3A_445 = arith.constant dense<0.000000e+00> : vector<64xf32>
    %reduce_sum3A_446 = vector.multi_reduction <add>, %slice3A_438, %reduce_sum3A_445 [1] : vector<64x784xf32> to vector<64xf32>
    %mul3A_447 = arith.mulf %slice3A_438, %slice3A_438 : vector<64x784xf32>
    %reduce_sum3A_448 = arith.constant dense<0.000000e+00> : vector<64xf32>
    %reduce_sum3A_449 = vector.multi_reduction <add>, %mul3A_447, %reduce_sum3A_448 [1] : vector<64x784xf32> to vector<64xf32>
    %add3A_450 = arith.addf %add3A_436, %reduce_sum3A_446 : vector<64xf32>
    %add3A_451 = arith.addf %add3A_437, %reduce_sum3A_449 : vector<64xf32>
    %slice3A_452 = vector.extract_strided_slice %add3A_356 {offsets = [0, 5936], sizes = [64, 784], strides = [1, 1]} : vector<64x6720xf32> to vector<64x784xf32>
    %swap3A_453 = arith.constant 0 : index
    %swap3A_454 = arith.constant 7 : index
    %swap3A_455 = arith.constant 0 : index
    %swap3A_456 = vector.load %arg6[%swap3A_453, %swap3A_454, %swap3A_455] : memref<64x8x784xf32, #tpu.memory_space<vmem>>, vector<64x1x784xf32>
    %swap3A_457 = vector.shape_cast %swap3A_456 : vector<64x1x784xf32> to vector<64x784xf32>
    %swap3A_458 = vector.shape_cast %slice3A_452 : vector<64x784xf32> to vector<64x1x784xf32>
    tpu.vector_store %arg6[%swap3A_453, %swap3A_454, %swap3A_455], %swap3A_458 {strides = array<i32>} : memref<64x8x784xf32, #tpu.memory_space<vmem>>, vector<64x1x784xf32>,
    %reduce_sum3A_459 = arith.constant dense<0.000000e+00> : vector<64xf32>
    %reduce_sum3A_460 = vector.multi_reduction <add>, %slice3A_452, %reduce_sum3A_459 [1] : vector<64x784xf32> to vector<64xf32>
    %mul3A_461 = arith.mulf %slice3A_452, %slice3A_452 : vector<64x784xf32>
    %reduce_sum3A_462 = arith.constant dense<0.000000e+00> : vector<64xf32>
    %reduce_sum3A_463 = vector.multi_reduction <add>, %mul3A_461, %reduce_sum3A_462 [1] : vector<64x784xf32> to vector<64xf32>
    %add3A_464 = arith.addf %add3A_450, %reduce_sum3A_460 : vector<64xf32>
    %add3A_465 = arith.addf %add3A_451, %reduce_sum3A_463 : vector<64xf32>
    %get3A_466 = arith.constant 0 : index
    %get3A_467 = arith.constant 0 : index
    %get3A_468 = vector.load %arg7[%get3A_466, %get3A_467] : memref<8x64xf32, #tpu.memory_space<vmem>>, vector<1x64xf32>
    %broadcast_in_dim3A_469 = vector.shape_cast %add3A_464 : vector<64xf32> to vector<1x64xf32>
    %add3A_470 = arith.addf %get3A_468, %broadcast_in_dim3A_469 : vector<1x64xf32>
    %swap3A_471 = arith.constant 0 : index
    %swap3A_472 = arith.constant 0 : index
    %swap3A_473 = vector.load %arg7[%swap3A_471, %swap3A_472] : memref<8x64xf32, #tpu.memory_space<vmem>>, vector<1x64xf32>
    tpu.vector_store %arg7[%swap3A_471, %swap3A_472], %add3A_470 {strides = array<i32>} : memref<8x64xf32, #tpu.memory_space<vmem>>, vector<1x64xf32>,
    %get3A_474 = arith.constant 1 : index
    %get3A_475 = arith.constant 0 : index
    %get3A_476 = vector.load %arg7[%get3A_474, %get3A_475] : memref<8x64xf32, #tpu.memory_space<vmem>>, vector<1x64xf32>
    %broadcast_in_dim3A_477 = vector.shape_cast %add3A_465 : vector<64xf32> to vector<1x64xf32>
    %add3A_478 = arith.addf %get3A_476, %broadcast_in_dim3A_477 : vector<1x64xf32>
    %swap3A_479 = arith.constant 1 : index
    %swap3A_480 = arith.constant 0 : index
    %swap3A_481 = vector.load %arg7[%swap3A_479, %swap3A_480] : memref<8x64xf32, #tpu.memory_space<vmem>>, vector<1x64xf32>
    tpu.vector_store %arg7[%swap3A_479, %swap3A_480], %add3A_478 {strides = array<i32>} : memref<8x64xf32, #tpu.memory_space<vmem>>, vector<1x64xf32>,
    return
  }
  func.func @transform_0(%arg0: i32) -> (i32, i32, i32) {
    %c0_i32 = arith.constant 0 : i32
    %c0_i32_0 = arith.constant 0 : i32
    %c0_i32_1 = arith.constant 0 : i32
    return %arg0, %c0_i32, %c0_i32_0 : i32, i32, i32
  }
  func.func @transform_1(%arg0: i32) -> (i32, i32, i32) {
    %c0_i32 = arith.constant 0 : i32
    %c0_i32_0 = arith.constant 0 : i32
    %c0_i32_1 = arith.constant 0 : i32
    %c0_i32_2 = arith.constant 0 : i32
    return %c0_i32, %c0_i32_0, %c0_i32_1 : i32, i32, i32
  }
  func.func @transform_2(%arg0: i32) -> (i32, i32) {
    %c0_i32 = arith.constant 0 : i32
    %c0_i32_0 = arith.constant 0 : i32
    %c0_i32_1 = arith.constant 0 : i32
    return %c0_i32, %c0_i32_0 : i32, i32
  }
  func.func @transform_3(%arg0: i32) -> (i32, i32) {
    %c0_i32 = arith.constant 0 : i32
    %c0_i32_0 = arith.constant 0 : i32
    %c0_i32_1 = arith.constant 0 : i32
    return %c0_i32, %c0_i32_0 : i32, i32
  }
  func.func @transform_4(%arg0: i32) -> (i32, i32) {
    %c0_i32 = arith.constant 0 : i32
    %c0_i32_0 = arith.constant 0 : i32
    %c0_i32_1 = arith.constant 0 : i32
    return %c0_i32, %c0_i32_0 : i32, i32
  }
  func.func @transform_5(%arg0: i32) -> (i32, i32, i32) {
    %c0_i32 = arith.constant 0 : i32
    %c0_i32_0 = arith.constant 0 : i32
    %c0_i32_1 = arith.constant 0 : i32
    return %c0_i32, %arg0, %c0_i32_0 : i32, i32, i32
  }
  func.func @transform_6(%arg0: i32) -> (i32, i32) {
    %c0_i32 = arith.constant 0 : i32
    %c0_i32_0 = arith.constant 0 : i32
    %c0_i32_1 = arith.constant 0 : i32
    return %c0_i32, %c0_i32_0 : i32, i32
  }
}

module attributes {stable_mosaic.version = 14 : i64} {
  func.func @_fc_body(%arg0: i32, %arg1: memref<64x8x784xf32, #tpu.memory_space<vmem>>, %arg2: memref<64x64xf32, #tpu.memory_space<vmem>>, %arg3: memref<64x1xf32, #tpu.memory_space<vmem>>, %arg4: memref<64x1xf32, #tpu.memory_space<vmem>>, %arg5: memref<64x1xf32, #tpu.memory_space<vmem>>, %arg6: memref<64x8x784xf32, #tpu.memory_space<vmem>>, %arg7: memref<8x64xf32, #tpu.memory_space<vmem>>) attributes {dimension_semantics = [#tpu.dimension_semantics<arbitrary>], iteration_bounds = array<i64: 64>, scalar_prefetch = 0 : i64, scratch_operands = 0 : i64, tpu.core_type = #tpu.core_type<tc>, window_params = [{transform_indices = @transform_0, window_bounds = array<i64: 64, 8, 784>}, {pipeline_mode = #tpu.pipeline_mode<synchronous>, transform_indices = @transform_1, window_bounds = array<i64: 64, 64>}, {pipeline_mode = #tpu.pipeline_mode<synchronous>, transform_indices = @transform_2, window_bounds = array<i64: 64, 1>}, {pipeline_mode = #tpu.pipeline_mode<synchronous>, transform_indices = @transform_3, window_bounds = array<i64: 64, 1>}, {pipeline_mode = #tpu.pipeline_mode<synchronous>, transform_indices = @transform_4, window_bounds = array<i64: 64, 1>}, {transform_indices = @transform_5, window_bounds = array<i64: 64, 8, 784>}, {pipeline_mode = #tpu.pipeline_mode<synchronous>, transform_indices = @transform_6, window_bounds = array<i64: 8, 64>}]} {
    %eq3A = arith.constant 0 : i32
    %eq3A_0 = arith.cmpi eq, %arg0, %eq3A : i32
    %convert_element_type3A = arith.extui %eq3A_0 : i1 to i32
    %cond3A = arith.constant 0 : i32
    %cond3A_1 = arith.cmpi ne, %convert_element_type3A, %cond3A : i32
    scf.if %cond3A_1 {
      %broadcast_in_dim3A_183 = arith.constant 0.000000e+00 : f32
      %broadcast_in_dim3A_184 = vector.broadcast %broadcast_in_dim3A_183 : f32 to vector<8x64xf32>
      %swap3A_185 = arith.constant 0 : index
      %swap3A_186 = arith.constant 0 : index
      %swap3A_187 = vector.load %arg7[%swap3A_185, %swap3A_186] : memref<8x64xf32, #tpu.memory_space<vmem>>, vector<8x64xf32>
      tpu.vector_store %arg7[%swap3A_185, %swap3A_186], %broadcast_in_dim3A_184 {strides = array<i32>} : memref<8x64xf32, #tpu.memory_space<vmem>>, vector<8x64xf32>,
    } else {
    }
    %get3A = arith.constant 0 : index
    %get3A_2 = arith.constant 0 : index
    %get3A_3 = arith.constant 0 : index
    %get3A_4 = vector.load %arg1[%get3A, %get3A_2, %get3A_3] : memref<64x8x784xf32, #tpu.memory_space<vmem>>, vector<64x8x784xf32>
    %get3A_5 = arith.constant 0 : index
    %get3A_6 = arith.constant 0 : index
    %get3A_7 = vector.load %arg4[%get3A_5, %get3A_6] : memref<64x1xf32, #tpu.memory_space<vmem>>, vector<64x1xf32>
    %broadcast_in_dim3A = vector.shape_cast %get3A_7 : vector<64x1xf32> to vector<64x1x1xf32>
    %get3A_8 = arith.constant 0 : index
    %get3A_9 = arith.constant 0 : index
    %get3A_10 = vector.load %arg5[%get3A_8, %get3A_9] : memref<64x1xf32, #tpu.memory_space<vmem>>, vector<64x1xf32>
    %broadcast_in_dim3A_11 = vector.shape_cast %get3A_10 : vector<64x1xf32> to vector<64x1x1xf32>
    %mul3A = vector.broadcast %broadcast_in_dim3A : vector<64x1x1xf32> to vector<64x8x784xf32>
    %mul3A_12 = arith.mulf %get3A_4, %mul3A : vector<64x8x784xf32>
    %add3A = vector.broadcast %broadcast_in_dim3A_11 : vector<64x1x1xf32> to vector<64x8x784xf32>
    %add3A_13 = arith.addf %mul3A_12, %add3A : vector<64x8x784xf32>
    %max3A = arith.constant 0.000000e+00 : f32
    %max3A_14 = vector.broadcast %max3A : f32 to vector<64x8x784xf32>
    %max3A_15 = arith.maximumf %add3A_13, %max3A_14 : vector<64x8x784xf32>
    %get3A_16 = arith.constant 0 : index
    %get3A_17 = arith.constant 0 : index
    %get3A_18 = vector.load %arg2[%get3A_16, %get3A_17] : memref<64x64xf32, #tpu.memory_space<vmem>>, vector<64x64xf32>
    %get3A_19 = arith.constant 0 : index
    %get3A_20 = arith.constant 0 : index
    %get3A_21 = vector.load %arg3[%get3A_19, %get3A_20] : memref<64x1xf32, #tpu.memory_space<vmem>>, vector<64x1xf32>
    %slice3A = vector.extract_strided_slice %max3A_15 {offsets = [0, 0, 0], sizes = [64, 1, 784], strides = [1, 1, 1]} : vector<64x8x784xf32> to vector<64x1x784xf32>
    %squeeze3A = vector.shape_cast %slice3A : vector<64x1x784xf32> to vector<64x784xf32>
    %dot_general3A = arith.constant dense<0.000000e+00> : vector<64x784xf32>
    %dot_general3A_22 = tpu.matmul %get3A_18, %squeeze3A, %dot_general3A {dimension_numbers = #tpu.dot_dimension_numbers<[1], [0], [0], [1], [0, 0, 1, 1], [], []>, transpose_lhs_hint = false} : vector<64x64xf32>, vector<64x784xf32>, vector<64x784xf32> -> vector<64x784xf32>
    %add3A_23 = vector.broadcast %get3A_21 : vector<64x1xf32> to vector<64x784xf32>
    %add3A_24 = arith.addf %dot_general3A_22, %add3A_23 : vector<64x784xf32>
    %swap3A = arith.constant 0 : index
    %swap3A_25 = arith.constant 0 : index
    %swap3A_26 = arith.constant 0 : index
    %swap3A_27 = vector.load %arg6[%swap3A, %swap3A_25, %swap3A_26] : memref<64x8x784xf32, #tpu.memory_space<vmem>>, vector<64x1x784xf32>
    %swap3A_28 = vector.shape_cast %swap3A_27 : vector<64x1x784xf32> to vector<64x784xf32>
    %swap3A_29 = vector.shape_cast %add3A_24 : vector<64x784xf32> to vector<64x1x784xf32>
    tpu.vector_store %arg6[%swap3A, %swap3A_25, %swap3A_26], %swap3A_29 {strides = array<i32>} : memref<64x8x784xf32, #tpu.memory_space<vmem>>, vector<64x1x784xf32>,
    %reduce_sum3A = arith.constant dense<0.000000e+00> : vector<64xf32>
    %reduce_sum3A_30 = vector.multi_reduction <add>, %add3A_24, %reduce_sum3A [1] : vector<64x784xf32> to vector<64xf32>
    %mul3A_31 = arith.mulf %add3A_24, %add3A_24 : vector<64x784xf32>
    %reduce_sum3A_32 = arith.constant dense<0.000000e+00> : vector<64xf32>
    %reduce_sum3A_33 = vector.multi_reduction <add>, %mul3A_31, %reduce_sum3A_32 [1] : vector<64x784xf32> to vector<64xf32>
    %slice3A_34 = vector.extract_strided_slice %max3A_15 {offsets = [0, 1, 0], sizes = [64, 1, 784], strides = [1, 1, 1]} : vector<64x8x784xf32> to vector<64x1x784xf32>
    %squeeze3A_35 = vector.shape_cast %slice3A_34 : vector<64x1x784xf32> to vector<64x784xf32>
    %dot_general3A_36 = arith.constant dense<0.000000e+00> : vector<64x784xf32>
    %dot_general3A_37 = tpu.matmul %get3A_18, %squeeze3A_35, %dot_general3A_36 {dimension_numbers = #tpu.dot_dimension_numbers<[1], [0], [0], [1], [0, 0, 1, 1], [], []>, transpose_lhs_hint = false} : vector<64x64xf32>, vector<64x784xf32>, vector<64x784xf32> -> vector<64x784xf32>
    %add3A_38 = vector.broadcast %get3A_21 : vector<64x1xf32> to vector<64x784xf32>
    %add3A_39 = arith.addf %dot_general3A_37, %add3A_38 : vector<64x784xf32>
    %swap3A_40 = arith.constant 0 : index
    %swap3A_41 = arith.constant 1 : index
    %swap3A_42 = arith.constant 0 : index
    %swap3A_43 = vector.load %arg6[%swap3A_40, %swap3A_41, %swap3A_42] : memref<64x8x784xf32, #tpu.memory_space<vmem>>, vector<64x1x784xf32>
    %swap3A_44 = vector.shape_cast %swap3A_43 : vector<64x1x784xf32> to vector<64x784xf32>
    %swap3A_45 = vector.shape_cast %add3A_39 : vector<64x784xf32> to vector<64x1x784xf32>
    tpu.vector_store %arg6[%swap3A_40, %swap3A_41, %swap3A_42], %swap3A_45 {strides = array<i32>} : memref<64x8x784xf32, #tpu.memory_space<vmem>>, vector<64x1x784xf32>,
    %reduce_sum3A_46 = arith.constant dense<0.000000e+00> : vector<64xf32>
    %reduce_sum3A_47 = vector.multi_reduction <add>, %add3A_39, %reduce_sum3A_46 [1] : vector<64x784xf32> to vector<64xf32>
    %mul3A_48 = arith.mulf %add3A_39, %add3A_39 : vector<64x784xf32>
    %reduce_sum3A_49 = arith.constant dense<0.000000e+00> : vector<64xf32>
    %reduce_sum3A_50 = vector.multi_reduction <add>, %mul3A_48, %reduce_sum3A_49 [1] : vector<64x784xf32> to vector<64xf32>
    %add3A_51 = arith.addf %reduce_sum3A_30, %reduce_sum3A_47 : vector<64xf32>
    %add3A_52 = arith.addf %reduce_sum3A_33, %reduce_sum3A_50 : vector<64xf32>
    %slice3A_53 = vector.extract_strided_slice %max3A_15 {offsets = [0, 2, 0], sizes = [64, 1, 784], strides = [1, 1, 1]} : vector<64x8x784xf32> to vector<64x1x784xf32>
    %squeeze3A_54 = vector.shape_cast %slice3A_53 : vector<64x1x784xf32> to vector<64x784xf32>
    %dot_general3A_55 = arith.constant dense<0.000000e+00> : vector<64x784xf32>
    %dot_general3A_56 = tpu.matmul %get3A_18, %squeeze3A_54, %dot_general3A_55 {dimension_numbers = #tpu.dot_dimension_numbers<[1], [0], [0], [1], [0, 0, 1, 1], [], []>, transpose_lhs_hint = false} : vector<64x64xf32>, vector<64x784xf32>, vector<64x784xf32> -> vector<64x784xf32>
    %add3A_57 = vector.broadcast %get3A_21 : vector<64x1xf32> to vector<64x784xf32>
    %add3A_58 = arith.addf %dot_general3A_56, %add3A_57 : vector<64x784xf32>
    %swap3A_59 = arith.constant 0 : index
    %swap3A_60 = arith.constant 2 : index
    %swap3A_61 = arith.constant 0 : index
    %swap3A_62 = vector.load %arg6[%swap3A_59, %swap3A_60, %swap3A_61] : memref<64x8x784xf32, #tpu.memory_space<vmem>>, vector<64x1x784xf32>
    %swap3A_63 = vector.shape_cast %swap3A_62 : vector<64x1x784xf32> to vector<64x784xf32>
    %swap3A_64 = vector.shape_cast %add3A_58 : vector<64x784xf32> to vector<64x1x784xf32>
    tpu.vector_store %arg6[%swap3A_59, %swap3A_60, %swap3A_61], %swap3A_64 {strides = array<i32>} : memref<64x8x784xf32, #tpu.memory_space<vmem>>, vector<64x1x784xf32>,
    %reduce_sum3A_65 = arith.constant dense<0.000000e+00> : vector<64xf32>
    %reduce_sum3A_66 = vector.multi_reduction <add>, %add3A_58, %reduce_sum3A_65 [1] : vector<64x784xf32> to vector<64xf32>
    %mul3A_67 = arith.mulf %add3A_58, %add3A_58 : vector<64x784xf32>
    %reduce_sum3A_68 = arith.constant dense<0.000000e+00> : vector<64xf32>
    %reduce_sum3A_69 = vector.multi_reduction <add>, %mul3A_67, %reduce_sum3A_68 [1] : vector<64x784xf32> to vector<64xf32>
    %add3A_70 = arith.addf %add3A_51, %reduce_sum3A_66 : vector<64xf32>
    %add3A_71 = arith.addf %add3A_52, %reduce_sum3A_69 : vector<64xf32>
    %slice3A_72 = vector.extract_strided_slice %max3A_15 {offsets = [0, 3, 0], sizes = [64, 1, 784], strides = [1, 1, 1]} : vector<64x8x784xf32> to vector<64x1x784xf32>
    %squeeze3A_73 = vector.shape_cast %slice3A_72 : vector<64x1x784xf32> to vector<64x784xf32>
    %dot_general3A_74 = arith.constant dense<0.000000e+00> : vector<64x784xf32>
    %dot_general3A_75 = tpu.matmul %get3A_18, %squeeze3A_73, %dot_general3A_74 {dimension_numbers = #tpu.dot_dimension_numbers<[1], [0], [0], [1], [0, 0, 1, 1], [], []>, transpose_lhs_hint = false} : vector<64x64xf32>, vector<64x784xf32>, vector<64x784xf32> -> vector<64x784xf32>
    %add3A_76 = vector.broadcast %get3A_21 : vector<64x1xf32> to vector<64x784xf32>
    %add3A_77 = arith.addf %dot_general3A_75, %add3A_76 : vector<64x784xf32>
    %swap3A_78 = arith.constant 0 : index
    %swap3A_79 = arith.constant 3 : index
    %swap3A_80 = arith.constant 0 : index
    %swap3A_81 = vector.load %arg6[%swap3A_78, %swap3A_79, %swap3A_80] : memref<64x8x784xf32, #tpu.memory_space<vmem>>, vector<64x1x784xf32>
    %swap3A_82 = vector.shape_cast %swap3A_81 : vector<64x1x784xf32> to vector<64x784xf32>
    %swap3A_83 = vector.shape_cast %add3A_77 : vector<64x784xf32> to vector<64x1x784xf32>
    tpu.vector_store %arg6[%swap3A_78, %swap3A_79, %swap3A_80], %swap3A_83 {strides = array<i32>} : memref<64x8x784xf32, #tpu.memory_space<vmem>>, vector<64x1x784xf32>,
    %reduce_sum3A_84 = arith.constant dense<0.000000e+00> : vector<64xf32>
    %reduce_sum3A_85 = vector.multi_reduction <add>, %add3A_77, %reduce_sum3A_84 [1] : vector<64x784xf32> to vector<64xf32>
    %mul3A_86 = arith.mulf %add3A_77, %add3A_77 : vector<64x784xf32>
    %reduce_sum3A_87 = arith.constant dense<0.000000e+00> : vector<64xf32>
    %reduce_sum3A_88 = vector.multi_reduction <add>, %mul3A_86, %reduce_sum3A_87 [1] : vector<64x784xf32> to vector<64xf32>
    %add3A_89 = arith.addf %add3A_70, %reduce_sum3A_85 : vector<64xf32>
    %add3A_90 = arith.addf %add3A_71, %reduce_sum3A_88 : vector<64xf32>
    %slice3A_91 = vector.extract_strided_slice %max3A_15 {offsets = [0, 4, 0], sizes = [64, 1, 784], strides = [1, 1, 1]} : vector<64x8x784xf32> to vector<64x1x784xf32>
    %squeeze3A_92 = vector.shape_cast %slice3A_91 : vector<64x1x784xf32> to vector<64x784xf32>
    %dot_general3A_93 = arith.constant dense<0.000000e+00> : vector<64x784xf32>
    %dot_general3A_94 = tpu.matmul %get3A_18, %squeeze3A_92, %dot_general3A_93 {dimension_numbers = #tpu.dot_dimension_numbers<[1], [0], [0], [1], [0, 0, 1, 1], [], []>, transpose_lhs_hint = false} : vector<64x64xf32>, vector<64x784xf32>, vector<64x784xf32> -> vector<64x784xf32>
    %add3A_95 = vector.broadcast %get3A_21 : vector<64x1xf32> to vector<64x784xf32>
    %add3A_96 = arith.addf %dot_general3A_94, %add3A_95 : vector<64x784xf32>
    %swap3A_97 = arith.constant 0 : index
    %swap3A_98 = arith.constant 4 : index
    %swap3A_99 = arith.constant 0 : index
    %swap3A_100 = vector.load %arg6[%swap3A_97, %swap3A_98, %swap3A_99] : memref<64x8x784xf32, #tpu.memory_space<vmem>>, vector<64x1x784xf32>
    %swap3A_101 = vector.shape_cast %swap3A_100 : vector<64x1x784xf32> to vector<64x784xf32>
    %swap3A_102 = vector.shape_cast %add3A_96 : vector<64x784xf32> to vector<64x1x784xf32>
    tpu.vector_store %arg6[%swap3A_97, %swap3A_98, %swap3A_99], %swap3A_102 {strides = array<i32>} : memref<64x8x784xf32, #tpu.memory_space<vmem>>, vector<64x1x784xf32>,
    %reduce_sum3A_103 = arith.constant dense<0.000000e+00> : vector<64xf32>
    %reduce_sum3A_104 = vector.multi_reduction <add>, %add3A_96, %reduce_sum3A_103 [1] : vector<64x784xf32> to vector<64xf32>
    %mul3A_105 = arith.mulf %add3A_96, %add3A_96 : vector<64x784xf32>
    %reduce_sum3A_106 = arith.constant dense<0.000000e+00> : vector<64xf32>
    %reduce_sum3A_107 = vector.multi_reduction <add>, %mul3A_105, %reduce_sum3A_106 [1] : vector<64x784xf32> to vector<64xf32>
    %add3A_108 = arith.addf %add3A_89, %reduce_sum3A_104 : vector<64xf32>
    %add3A_109 = arith.addf %add3A_90, %reduce_sum3A_107 : vector<64xf32>
    %slice3A_110 = vector.extract_strided_slice %max3A_15 {offsets = [0, 5, 0], sizes = [64, 1, 784], strides = [1, 1, 1]} : vector<64x8x784xf32> to vector<64x1x784xf32>
    %squeeze3A_111 = vector.shape_cast %slice3A_110 : vector<64x1x784xf32> to vector<64x784xf32>
    %dot_general3A_112 = arith.constant dense<0.000000e+00> : vector<64x784xf32>
    %dot_general3A_113 = tpu.matmul %get3A_18, %squeeze3A_111, %dot_general3A_112 {dimension_numbers = #tpu.dot_dimension_numbers<[1], [0], [0], [1], [0, 0, 1, 1], [], []>, transpose_lhs_hint = false} : vector<64x64xf32>, vector<64x784xf32>, vector<64x784xf32> -> vector<64x784xf32>
    %add3A_114 = vector.broadcast %get3A_21 : vector<64x1xf32> to vector<64x784xf32>
    %add3A_115 = arith.addf %dot_general3A_113, %add3A_114 : vector<64x784xf32>
    %swap3A_116 = arith.constant 0 : index
    %swap3A_117 = arith.constant 5 : index
    %swap3A_118 = arith.constant 0 : index
    %swap3A_119 = vector.load %arg6[%swap3A_116, %swap3A_117, %swap3A_118] : memref<64x8x784xf32, #tpu.memory_space<vmem>>, vector<64x1x784xf32>
    %swap3A_120 = vector.shape_cast %swap3A_119 : vector<64x1x784xf32> to vector<64x784xf32>
    %swap3A_121 = vector.shape_cast %add3A_115 : vector<64x784xf32> to vector<64x1x784xf32>
    tpu.vector_store %arg6[%swap3A_116, %swap3A_117, %swap3A_118], %swap3A_121 {strides = array<i32>} : memref<64x8x784xf32, #tpu.memory_space<vmem>>, vector<64x1x784xf32>,
    %reduce_sum3A_122 = arith.constant dense<0.000000e+00> : vector<64xf32>
    %reduce_sum3A_123 = vector.multi_reduction <add>, %add3A_115, %reduce_sum3A_122 [1] : vector<64x784xf32> to vector<64xf32>
    %mul3A_124 = arith.mulf %add3A_115, %add3A_115 : vector<64x784xf32>
    %reduce_sum3A_125 = arith.constant dense<0.000000e+00> : vector<64xf32>
    %reduce_sum3A_126 = vector.multi_reduction <add>, %mul3A_124, %reduce_sum3A_125 [1] : vector<64x784xf32> to vector<64xf32>
    %add3A_127 = arith.addf %add3A_108, %reduce_sum3A_123 : vector<64xf32>
    %add3A_128 = arith.addf %add3A_109, %reduce_sum3A_126 : vector<64xf32>
    %slice3A_129 = vector.extract_strided_slice %max3A_15 {offsets = [0, 6, 0], sizes = [64, 1, 784], strides = [1, 1, 1]} : vector<64x8x784xf32> to vector<64x1x784xf32>
    %squeeze3A_130 = vector.shape_cast %slice3A_129 : vector<64x1x784xf32> to vector<64x784xf32>
    %dot_general3A_131 = arith.constant dense<0.000000e+00> : vector<64x784xf32>
    %dot_general3A_132 = tpu.matmul %get3A_18, %squeeze3A_130, %dot_general3A_131 {dimension_numbers = #tpu.dot_dimension_numbers<[1], [0], [0], [1], [0, 0, 1, 1], [], []>, transpose_lhs_hint = false} : vector<64x64xf32>, vector<64x784xf32>, vector<64x784xf32> -> vector<64x784xf32>
    %add3A_133 = vector.broadcast %get3A_21 : vector<64x1xf32> to vector<64x784xf32>
    %add3A_134 = arith.addf %dot_general3A_132, %add3A_133 : vector<64x784xf32>
    %swap3A_135 = arith.constant 0 : index
    %swap3A_136 = arith.constant 6 : index
    %swap3A_137 = arith.constant 0 : index
    %swap3A_138 = vector.load %arg6[%swap3A_135, %swap3A_136, %swap3A_137] : memref<64x8x784xf32, #tpu.memory_space<vmem>>, vector<64x1x784xf32>
    %swap3A_139 = vector.shape_cast %swap3A_138 : vector<64x1x784xf32> to vector<64x784xf32>
    %swap3A_140 = vector.shape_cast %add3A_134 : vector<64x784xf32> to vector<64x1x784xf32>
    tpu.vector_store %arg6[%swap3A_135, %swap3A_136, %swap3A_137], %swap3A_140 {strides = array<i32>} : memref<64x8x784xf32, #tpu.memory_space<vmem>>, vector<64x1x784xf32>,
    %reduce_sum3A_141 = arith.constant dense<0.000000e+00> : vector<64xf32>
    %reduce_sum3A_142 = vector.multi_reduction <add>, %add3A_134, %reduce_sum3A_141 [1] : vector<64x784xf32> to vector<64xf32>
    %mul3A_143 = arith.mulf %add3A_134, %add3A_134 : vector<64x784xf32>
    %reduce_sum3A_144 = arith.constant dense<0.000000e+00> : vector<64xf32>
    %reduce_sum3A_145 = vector.multi_reduction <add>, %mul3A_143, %reduce_sum3A_144 [1] : vector<64x784xf32> to vector<64xf32>
    %add3A_146 = arith.addf %add3A_127, %reduce_sum3A_142 : vector<64xf32>
    %add3A_147 = arith.addf %add3A_128, %reduce_sum3A_145 : vector<64xf32>
    %slice3A_148 = vector.extract_strided_slice %max3A_15 {offsets = [0, 7, 0], sizes = [64, 1, 784], strides = [1, 1, 1]} : vector<64x8x784xf32> to vector<64x1x784xf32>
    %squeeze3A_149 = vector.shape_cast %slice3A_148 : vector<64x1x784xf32> to vector<64x784xf32>
    %dot_general3A_150 = arith.constant dense<0.000000e+00> : vector<64x784xf32>
    %dot_general3A_151 = tpu.matmul %get3A_18, %squeeze3A_149, %dot_general3A_150 {dimension_numbers = #tpu.dot_dimension_numbers<[1], [0], [0], [1], [0, 0, 1, 1], [], []>, transpose_lhs_hint = false} : vector<64x64xf32>, vector<64x784xf32>, vector<64x784xf32> -> vector<64x784xf32>
    %add3A_152 = vector.broadcast %get3A_21 : vector<64x1xf32> to vector<64x784xf32>
    %add3A_153 = arith.addf %dot_general3A_151, %add3A_152 : vector<64x784xf32>
    %swap3A_154 = arith.constant 0 : index
    %swap3A_155 = arith.constant 7 : index
    %swap3A_156 = arith.constant 0 : index
    %swap3A_157 = vector.load %arg6[%swap3A_154, %swap3A_155, %swap3A_156] : memref<64x8x784xf32, #tpu.memory_space<vmem>>, vector<64x1x784xf32>
    %swap3A_158 = vector.shape_cast %swap3A_157 : vector<64x1x784xf32> to vector<64x784xf32>
    %swap3A_159 = vector.shape_cast %add3A_153 : vector<64x784xf32> to vector<64x1x784xf32>
    tpu.vector_store %arg6[%swap3A_154, %swap3A_155, %swap3A_156], %swap3A_159 {strides = array<i32>} : memref<64x8x784xf32, #tpu.memory_space<vmem>>, vector<64x1x784xf32>,
    %reduce_sum3A_160 = arith.constant dense<0.000000e+00> : vector<64xf32>
    %reduce_sum3A_161 = vector.multi_reduction <add>, %add3A_153, %reduce_sum3A_160 [1] : vector<64x784xf32> to vector<64xf32>
    %mul3A_162 = arith.mulf %add3A_153, %add3A_153 : vector<64x784xf32>
    %reduce_sum3A_163 = arith.constant dense<0.000000e+00> : vector<64xf32>
    %reduce_sum3A_164 = vector.multi_reduction <add>, %mul3A_162, %reduce_sum3A_163 [1] : vector<64x784xf32> to vector<64xf32>
    %add3A_165 = arith.addf %add3A_146, %reduce_sum3A_161 : vector<64xf32>
    %add3A_166 = arith.addf %add3A_147, %reduce_sum3A_164 : vector<64xf32>
    %get3A_167 = arith.constant 0 : index
    %get3A_168 = arith.constant 0 : index
    %get3A_169 = vector.load %arg7[%get3A_167, %get3A_168] : memref<8x64xf32, #tpu.memory_space<vmem>>, vector<1x64xf32>
    %broadcast_in_dim3A_170 = vector.shape_cast %add3A_165 : vector<64xf32> to vector<1x64xf32>
    %add3A_171 = arith.addf %get3A_169, %broadcast_in_dim3A_170 : vector<1x64xf32>
    %swap3A_172 = arith.constant 0 : index
    %swap3A_173 = arith.constant 0 : index
    %swap3A_174 = vector.load %arg7[%swap3A_172, %swap3A_173] : memref<8x64xf32, #tpu.memory_space<vmem>>, vector<1x64xf32>
    tpu.vector_store %arg7[%swap3A_172, %swap3A_173], %add3A_171 {strides = array<i32>} : memref<8x64xf32, #tpu.memory_space<vmem>>, vector<1x64xf32>,
    %get3A_175 = arith.constant 1 : index
    %get3A_176 = arith.constant 0 : index
    %get3A_177 = vector.load %arg7[%get3A_175, %get3A_176] : memref<8x64xf32, #tpu.memory_space<vmem>>, vector<1x64xf32>
    %broadcast_in_dim3A_178 = vector.shape_cast %add3A_166 : vector<64xf32> to vector<1x64xf32>
    %add3A_179 = arith.addf %get3A_177, %broadcast_in_dim3A_178 : vector<1x64xf32>
    %swap3A_180 = arith.constant 1 : index
    %swap3A_181 = arith.constant 0 : index
    %swap3A_182 = vector.load %arg7[%swap3A_180, %swap3A_181] : memref<8x64xf32, #tpu.memory_space<vmem>>, vector<1x64xf32>
    tpu.vector_store %arg7[%swap3A_180, %swap3A_181], %add3A_179 {strides = array<i32>} : memref<8x64xf32, #tpu.memory_space<vmem>>, vector<1x64xf32>,
    return
  }
  func.func @transform_0(%arg0: i32) -> (i32, i32, i32) {
    %c0_i32 = arith.constant 0 : i32
    %c0_i32_0 = arith.constant 0 : i32
    %c0_i32_1 = arith.constant 0 : i32
    return %c0_i32, %arg0, %c0_i32_0 : i32, i32, i32
  }
  func.func @transform_1(%arg0: i32) -> (i32, i32) {
    %c0_i32 = arith.constant 0 : i32
    %c0_i32_0 = arith.constant 0 : i32
    %c0_i32_1 = arith.constant 0 : i32
    return %c0_i32, %c0_i32_0 : i32, i32
  }
  func.func @transform_2(%arg0: i32) -> (i32, i32) {
    %c0_i32 = arith.constant 0 : i32
    %c0_i32_0 = arith.constant 0 : i32
    %c0_i32_1 = arith.constant 0 : i32
    return %c0_i32, %c0_i32_0 : i32, i32
  }
  func.func @transform_3(%arg0: i32) -> (i32, i32) {
    %c0_i32 = arith.constant 0 : i32
    %c0_i32_0 = arith.constant 0 : i32
    %c0_i32_1 = arith.constant 0 : i32
    return %c0_i32, %c0_i32_0 : i32, i32
  }
  func.func @transform_4(%arg0: i32) -> (i32, i32) {
    %c0_i32 = arith.constant 0 : i32
    %c0_i32_0 = arith.constant 0 : i32
    %c0_i32_1 = arith.constant 0 : i32
    return %c0_i32, %c0_i32_0 : i32, i32
  }
  func.func @transform_5(%arg0: i32) -> (i32, i32, i32) {
    %c0_i32 = arith.constant 0 : i32
    %c0_i32_0 = arith.constant 0 : i32
    %c0_i32_1 = arith.constant 0 : i32
    return %c0_i32, %arg0, %c0_i32_0 : i32, i32, i32
  }
  func.func @transform_6(%arg0: i32) -> (i32, i32) {
    %c0_i32 = arith.constant 0 : i32
    %c0_i32_0 = arith.constant 0 : i32
    %c0_i32_1 = arith.constant 0 : i32
    return %c0_i32, %c0_i32_0 : i32, i32
  }
}

module attributes {stable_mosaic.version = 14 : i64} {
  func.func @_final_body(%arg0: i32, %arg1: memref<64x8x784xf32, #tpu.memory_space<vmem>>, %arg2: memref<64x1xf32, #tpu.memory_space<vmem>>, %arg3: memref<64x1xf32, #tpu.memory_space<vmem>>, %arg4: memref<8x784x64xf32, #tpu.memory_space<vmem>>) attributes {dimension_semantics = [#tpu.dimension_semantics<arbitrary>], iteration_bounds = array<i64: 64>, scalar_prefetch = 0 : i64, scratch_operands = 0 : i64, tpu.core_type = #tpu.core_type<tc>, window_params = [{transform_indices = @transform_0, window_bounds = array<i64: 64, 8, 784>}, {pipeline_mode = #tpu.pipeline_mode<synchronous>, transform_indices = @transform_1, window_bounds = array<i64: 64, 1>}, {pipeline_mode = #tpu.pipeline_mode<synchronous>, transform_indices = @transform_2, window_bounds = array<i64: 64, 1>}, {transform_indices = @transform_3, window_bounds = array<i64: 8, 784, 64>}]} {
    %get3A = arith.constant 0 : index
    %get3A_0 = arith.constant 0 : index
    %get3A_1 = arith.constant 0 : index
    %get3A_2 = vector.load %arg1[%get3A, %get3A_0, %get3A_1] : memref<64x8x784xf32, #tpu.memory_space<vmem>>, vector<64x8x784xf32>
    %get3A_3 = arith.constant 0 : index
    %get3A_4 = arith.constant 0 : index
    %get3A_5 = vector.load %arg2[%get3A_3, %get3A_4] : memref<64x1xf32, #tpu.memory_space<vmem>>, vector<64x1xf32>
    %broadcast_in_dim3A = vector.shape_cast %get3A_5 : vector<64x1xf32> to vector<64x1x1xf32>
    %get3A_6 = arith.constant 0 : index
    %get3A_7 = arith.constant 0 : index
    %get3A_8 = vector.load %arg3[%get3A_6, %get3A_7] : memref<64x1xf32, #tpu.memory_space<vmem>>, vector<64x1xf32>
    %broadcast_in_dim3A_9 = vector.shape_cast %get3A_8 : vector<64x1xf32> to vector<64x1x1xf32>
    %mul3A = vector.broadcast %broadcast_in_dim3A : vector<64x1x1xf32> to vector<64x8x784xf32>
    %mul3A_10 = arith.mulf %get3A_2, %mul3A : vector<64x8x784xf32>
    %add3A = vector.broadcast %broadcast_in_dim3A_9 : vector<64x1x1xf32> to vector<64x8x784xf32>
    %add3A_11 = arith.addf %mul3A_10, %add3A : vector<64x8x784xf32>
    %max3A = arith.constant 0.000000e+00 : f32
    %max3A_12 = vector.broadcast %max3A : f32 to vector<64x8x784xf32>
    %max3A_13 = arith.maximumf %add3A_11, %max3A_12 : vector<64x8x784xf32>
    %mul3A_14 = arith.mulf %max3A_13, %max3A_13 : vector<64x8x784xf32>
    %reduce_sum3A = arith.constant dense<0.000000e+00> : vector<8x784xf32>
    %reduce_sum3A_15 = vector.multi_reduction <add>, %mul3A_14, %reduce_sum3A [0] : vector<64x8x784xf32> to vector<8x784xf32>
    %broadcast_in_dim3A_16 = vector.shape_cast %reduce_sum3A_15 : vector<8x784xf32> to vector<1x8x784xf32>
    %sqrt3A = math.sqrt %broadcast_in_dim3A_16 : vector<1x8x784xf32>
    %add3A_17 = arith.constant 9.99999993E-9 : f32
    %add3A_18 = vector.broadcast %add3A_17 : f32 to vector<1x8x784xf32>
    %add3A_19 = arith.addf %sqrt3A, %add3A_18 : vector<1x8x784xf32>
    %div3A = vector.broadcast %add3A_19 : vector<1x8x784xf32> to vector<64x8x784xf32>
    %div3A_20 = arith.divf %max3A_13, %div3A : vector<64x8x784xf32>
    %slice3A = vector.extract_strided_slice %div3A_20 {offsets = [0, 0, 0], sizes = [64, 1, 784], strides = [1, 1, 1]} : vector<64x8x784xf32> to vector<64x1x784xf32>
    %squeeze3A = vector.shape_cast %slice3A : vector<64x1x784xf32> to vector<64x784xf32>
    %transpose3A = tpu.transpose %squeeze3A, [1, 0] : vector<64x784xf32> -> vector<784x64xf32>
    %swap3A = arith.constant 0 : index
    %swap3A_21 = arith.constant 0 : index
    %swap3A_22 = arith.constant 0 : index
    %swap3A_23 = vector.load %arg4[%swap3A, %swap3A_21, %swap3A_22] : memref<8x784x64xf32, #tpu.memory_space<vmem>>, vector<1x784x64xf32>
    %swap3A_24 = vector.shape_cast %swap3A_23 : vector<1x784x64xf32> to vector<784x64xf32>
    %swap3A_25 = vector.shape_cast %transpose3A : vector<784x64xf32> to vector<1x784x64xf32>
    tpu.vector_store %arg4[%swap3A, %swap3A_21, %swap3A_22], %swap3A_25 {strides = array<i32>} : memref<8x784x64xf32, #tpu.memory_space<vmem>>, vector<1x784x64xf32>,
    %slice3A_26 = vector.extract_strided_slice %div3A_20 {offsets = [0, 1, 0], sizes = [64, 1, 784], strides = [1, 1, 1]} : vector<64x8x784xf32> to vector<64x1x784xf32>
    %squeeze3A_27 = vector.shape_cast %slice3A_26 : vector<64x1x784xf32> to vector<64x784xf32>
    %transpose3A_28 = tpu.transpose %squeeze3A_27, [1, 0] : vector<64x784xf32> -> vector<784x64xf32>
    %swap3A_29 = arith.constant 1 : index
    %swap3A_30 = arith.constant 0 : index
    %swap3A_31 = arith.constant 0 : index
    %swap3A_32 = vector.load %arg4[%swap3A_29, %swap3A_30, %swap3A_31] : memref<8x784x64xf32, #tpu.memory_space<vmem>>, vector<1x784x64xf32>
    %swap3A_33 = vector.shape_cast %swap3A_32 : vector<1x784x64xf32> to vector<784x64xf32>
    %swap3A_34 = vector.shape_cast %transpose3A_28 : vector<784x64xf32> to vector<1x784x64xf32>
    tpu.vector_store %arg4[%swap3A_29, %swap3A_30, %swap3A_31], %swap3A_34 {strides = array<i32>} : memref<8x784x64xf32, #tpu.memory_space<vmem>>, vector<1x784x64xf32>,
    %slice3A_35 = vector.extract_strided_slice %div3A_20 {offsets = [0, 2, 0], sizes = [64, 1, 784], strides = [1, 1, 1]} : vector<64x8x784xf32> to vector<64x1x784xf32>
    %squeeze3A_36 = vector.shape_cast %slice3A_35 : vector<64x1x784xf32> to vector<64x784xf32>
    %transpose3A_37 = tpu.transpose %squeeze3A_36, [1, 0] : vector<64x784xf32> -> vector<784x64xf32>
    %swap3A_38 = arith.constant 2 : index
    %swap3A_39 = arith.constant 0 : index
    %swap3A_40 = arith.constant 0 : index
    %swap3A_41 = vector.load %arg4[%swap3A_38, %swap3A_39, %swap3A_40] : memref<8x784x64xf32, #tpu.memory_space<vmem>>, vector<1x784x64xf32>
    %swap3A_42 = vector.shape_cast %swap3A_41 : vector<1x784x64xf32> to vector<784x64xf32>
    %swap3A_43 = vector.shape_cast %transpose3A_37 : vector<784x64xf32> to vector<1x784x64xf32>
    tpu.vector_store %arg4[%swap3A_38, %swap3A_39, %swap3A_40], %swap3A_43 {strides = array<i32>} : memref<8x784x64xf32, #tpu.memory_space<vmem>>, vector<1x784x64xf32>,
    %slice3A_44 = vector.extract_strided_slice %div3A_20 {offsets = [0, 3, 0], sizes = [64, 1, 784], strides = [1, 1, 1]} : vector<64x8x784xf32> to vector<64x1x784xf32>
    %squeeze3A_45 = vector.shape_cast %slice3A_44 : vector<64x1x784xf32> to vector<64x784xf32>
    %transpose3A_46 = tpu.transpose %squeeze3A_45, [1, 0] : vector<64x784xf32> -> vector<784x64xf32>
    %swap3A_47 = arith.constant 3 : index
    %swap3A_48 = arith.constant 0 : index
    %swap3A_49 = arith.constant 0 : index
    %swap3A_50 = vector.load %arg4[%swap3A_47, %swap3A_48, %swap3A_49] : memref<8x784x64xf32, #tpu.memory_space<vmem>>, vector<1x784x64xf32>
    %swap3A_51 = vector.shape_cast %swap3A_50 : vector<1x784x64xf32> to vector<784x64xf32>
    %swap3A_52 = vector.shape_cast %transpose3A_46 : vector<784x64xf32> to vector<1x784x64xf32>
    tpu.vector_store %arg4[%swap3A_47, %swap3A_48, %swap3A_49], %swap3A_52 {strides = array<i32>} : memref<8x784x64xf32, #tpu.memory_space<vmem>>, vector<1x784x64xf32>,
    %slice3A_53 = vector.extract_strided_slice %div3A_20 {offsets = [0, 4, 0], sizes = [64, 1, 784], strides = [1, 1, 1]} : vector<64x8x784xf32> to vector<64x1x784xf32>
    %squeeze3A_54 = vector.shape_cast %slice3A_53 : vector<64x1x784xf32> to vector<64x784xf32>
    %transpose3A_55 = tpu.transpose %squeeze3A_54, [1, 0] : vector<64x784xf32> -> vector<784x64xf32>
    %swap3A_56 = arith.constant 4 : index
    %swap3A_57 = arith.constant 0 : index
    %swap3A_58 = arith.constant 0 : index
    %swap3A_59 = vector.load %arg4[%swap3A_56, %swap3A_57, %swap3A_58] : memref<8x784x64xf32, #tpu.memory_space<vmem>>, vector<1x784x64xf32>
    %swap3A_60 = vector.shape_cast %swap3A_59 : vector<1x784x64xf32> to vector<784x64xf32>
    %swap3A_61 = vector.shape_cast %transpose3A_55 : vector<784x64xf32> to vector<1x784x64xf32>
    tpu.vector_store %arg4[%swap3A_56, %swap3A_57, %swap3A_58], %swap3A_61 {strides = array<i32>} : memref<8x784x64xf32, #tpu.memory_space<vmem>>, vector<1x784x64xf32>,
    %slice3A_62 = vector.extract_strided_slice %div3A_20 {offsets = [0, 5, 0], sizes = [64, 1, 784], strides = [1, 1, 1]} : vector<64x8x784xf32> to vector<64x1x784xf32>
    %squeeze3A_63 = vector.shape_cast %slice3A_62 : vector<64x1x784xf32> to vector<64x784xf32>
    %transpose3A_64 = tpu.transpose %squeeze3A_63, [1, 0] : vector<64x784xf32> -> vector<784x64xf32>
    %swap3A_65 = arith.constant 5 : index
    %swap3A_66 = arith.constant 0 : index
    %swap3A_67 = arith.constant 0 : index
    %swap3A_68 = vector.load %arg4[%swap3A_65, %swap3A_66, %swap3A_67] : memref<8x784x64xf32, #tpu.memory_space<vmem>>, vector<1x784x64xf32>
    %swap3A_69 = vector.shape_cast %swap3A_68 : vector<1x784x64xf32> to vector<784x64xf32>
    %swap3A_70 = vector.shape_cast %transpose3A_64 : vector<784x64xf32> to vector<1x784x64xf32>
    tpu.vector_store %arg4[%swap3A_65, %swap3A_66, %swap3A_67], %swap3A_70 {strides = array<i32>} : memref<8x784x64xf32, #tpu.memory_space<vmem>>, vector<1x784x64xf32>,
    %slice3A_71 = vector.extract_strided_slice %div3A_20 {offsets = [0, 6, 0], sizes = [64, 1, 784], strides = [1, 1, 1]} : vector<64x8x784xf32> to vector<64x1x784xf32>
    %squeeze3A_72 = vector.shape_cast %slice3A_71 : vector<64x1x784xf32> to vector<64x784xf32>
    %transpose3A_73 = tpu.transpose %squeeze3A_72, [1, 0] : vector<64x784xf32> -> vector<784x64xf32>
    %swap3A_74 = arith.constant 6 : index
    %swap3A_75 = arith.constant 0 : index
    %swap3A_76 = arith.constant 0 : index
    %swap3A_77 = vector.load %arg4[%swap3A_74, %swap3A_75, %swap3A_76] : memref<8x784x64xf32, #tpu.memory_space<vmem>>, vector<1x784x64xf32>
    %swap3A_78 = vector.shape_cast %swap3A_77 : vector<1x784x64xf32> to vector<784x64xf32>
    %swap3A_79 = vector.shape_cast %transpose3A_73 : vector<784x64xf32> to vector<1x784x64xf32>
    tpu.vector_store %arg4[%swap3A_74, %swap3A_75, %swap3A_76], %swap3A_79 {strides = array<i32>} : memref<8x784x64xf32, #tpu.memory_space<vmem>>, vector<1x784x64xf32>,
    %slice3A_80 = vector.extract_strided_slice %div3A_20 {offsets = [0, 7, 0], sizes = [64, 1, 784], strides = [1, 1, 1]} : vector<64x8x784xf32> to vector<64x1x784xf32>
    %squeeze3A_81 = vector.shape_cast %slice3A_80 : vector<64x1x784xf32> to vector<64x784xf32>
    %transpose3A_82 = tpu.transpose %squeeze3A_81, [1, 0] : vector<64x784xf32> -> vector<784x64xf32>
    %swap3A_83 = arith.constant 7 : index
    %swap3A_84 = arith.constant 0 : index
    %swap3A_85 = arith.constant 0 : index
    %swap3A_86 = vector.load %arg4[%swap3A_83, %swap3A_84, %swap3A_85] : memref<8x784x64xf32, #tpu.memory_space<vmem>>, vector<1x784x64xf32>
    %swap3A_87 = vector.shape_cast %swap3A_86 : vector<1x784x64xf32> to vector<784x64xf32>
    %swap3A_88 = vector.shape_cast %transpose3A_82 : vector<784x64xf32> to vector<1x784x64xf32>
    tpu.vector_store %arg4[%swap3A_83, %swap3A_84, %swap3A_85], %swap3A_88 {strides = array<i32>} : memref<8x784x64xf32, #tpu.memory_space<vmem>>, vector<1x784x64xf32>,
    return
  }
  func.func @transform_0(%arg0: i32) -> (i32, i32, i32) {
    %c0_i32 = arith.constant 0 : i32
    %c0_i32_0 = arith.constant 0 : i32
    %c0_i32_1 = arith.constant 0 : i32
    return %c0_i32, %arg0, %c0_i32_0 : i32, i32, i32
  }
  func.func @transform_1(%arg0: i32) -> (i32, i32) {
    %c0_i32 = arith.constant 0 : i32
    %c0_i32_0 = arith.constant 0 : i32
    %c0_i32_1 = arith.constant 0 : i32
    return %c0_i32, %c0_i32_0 : i32, i32
  }
  func.func @transform_2(%arg0: i32) -> (i32, i32) {
    %c0_i32 = arith.constant 0 : i32
    %c0_i32_0 = arith.constant 0 : i32
    %c0_i32_1 = arith.constant 0 : i32
    return %c0_i32, %c0_i32_0 : i32, i32
  }
  func.func @transform_3(%arg0: i32) -> (i32, i32, i32) {
    %c0_i32 = arith.constant 0 : i32
    %c0_i32_0 = arith.constant 0 : i32
    %c0_i32_1 = arith.constant 0 : i32
    return %arg0, %c0_i32, %c0_i32_0 : i32, i32, i32
  }
}

</mosaic_0001>

<sc_bundles>
// kernel: sparse-core-data-format-call.cloned.1.call-start
scs
called_computation_lowered:
.L_overlay_start_0:
0x0: {  	s2 =	sld [smem:$0x3FD9]  }
0x1: {  	s3 =	sld [smem:$0x3FFE];
	_ =	sdelay $0x1  }
0x2: {  	s1 =	srdreg.scid  }
0x3: {  	s0 =	sand.u32 $0x1, s1  }
0x4: {  	s18 =	sshll.u32 s0, $0xA;
	s2 =	sadd.s32 s3, s2  }
0x5: {  	s2 =	sadd.s32 s2, s18  }
0x6: {  	[smem:$0x3FAF] =	sst s2  }
0x7: {  	_ = 	snop  }
0x8: {  	s2 =	sld [smem:$0x3FD0];
	(tm) =	ssettm $0x1  }
0x9: {  	s19 =	sld [smem:$0x3FFB];
	_ =	sdelay $0x3  }
0xa: {  	_ =	strace s19  }
0xb: {  	s3 =	sld [smem:$0x3FFC];
	_ =	sdelay $0x3  }
0xc: {  	_ =	strace s3  }
0xd: {  	s3 =	sld [smem:$0x3FFD];
	_ =	sdelay $0x3  }
0xe: {  	_ =	strace s3  }
0xf: {  	_ =	strace $0x8FFFFFFF  }
0x10: {  	s20 =	sld [smem:$0x3FDB];
	_ =	sdelay $0x1  }
0x11: {  	s4 =	simm.s32 $_scs_section_size  }
0x12: {  	s5 =	simm.s32 $_size__tile_overlayer_lowered;
	s6 =	simm.s32 $_tile_overlayer_lowered  }
0x13: {  	s23 =	simm.s32 $0x1BFF;
	s22 =	sshll.u32 s6, $0x1;
	s3 =	sadd.s32 s4, s20  }
0x14: {  	s7 =	simm.s32 $0x0;
	s21 =	sshll.u32 s5, $0x1;
	s5 =	sadd.s32 s22, s3  }
0x15: {  	[timem:s7], [sflag:s23] =	dma.local [hbm:s5], s21  }
0x16: {  	_ =	swait.ge [sflag:s23], s21  }
0x17: {  	s4 =	ssub.s32 $0x0, s21;
	[sflag:s23] =	ssyncset.done $0x0  }
0x18: {  	[sflag:s23] =	ssyncadd.s32 s4;
	_ =	sdelay $0x1  }
0x19: {  	s24 =	simm.s32 $0x1B8B  }
0x1a: {  	_ =	swait.ge [sflag:s24], $0x1  }
0x1b: {  	[sflag:s24] =	ssyncset.done $0x0  }
0x1c: {  	s26 =	simm.s32 $0x1B8E;
	s25 =	sld [smem:$0x3FFE];
	[sflag:s24] =	ssyncadd.s32 $0xFFFFFFFF  }
0x1d: {  	s27 =	simm.s32 $execute0_lowered;
	[smem:$0x3FD2] =	sst s26  }
0x1e: {  	s5 =	sshll.u32 s27, $0x1;
	_ =	strace $0x80000046;
	[dreg:$0x1] =	wrdreg $0xFFFFFFFF  }
0x1f: {  	s28 =	simm.s32 $_size_execute0_lowered;
	s3 =	sadd.s32 s3, s5;
	[dreg:$0x0] =	wrdreg $0x0  }
0x20: {  	s5 =	sshll.u32 s28, $0x1;
	[dreg:$0x2] =	wrdreg s3  }
0x21: {  	[dreg:$0x3] =	wrdreg s5  }
0x22: {  	[dreg:$0x4] =	wrdreg $0xC0  }
0x23: {  	_ =	task [dreg:s7], $0x5FFFF  }
0x24: {  	[dreg:$0x1] =	wrdreg $0xFFFFFFFF  }
0x25: {  	[dreg:$0x0] =	wrdreg $0x60  }
0x26: {  	[dreg:$0x2] =	wrdreg s25  }
0x27: {  	[dreg:$0x3] =	wrdreg s2  }
0x28: {  	[dreg:$0x4] =	wrdreg $0x9  }
0x29: {  	_ =	task.clear_ibuf [dreg:s7], $0x5FFFF;
	_ =	strace $0x90000046  }
0x2a: {  	s29 =	simm.s32 $0x9;
	_ =	strace $0x80000048  }
0x2b: {  	_ =	swait.ge [sflag:s29], $0x1  }
0x2c: {  	[sflag:s29] =	ssyncadd.s32 $0xFFFFFFFF  }
0x2d: {  	_ =	strace $0x90000048  }
0x2e: {  	_ =	sfence  }
0x2f: {  	s30 =	sld [smem:$0x0];
	_ =	sdelay $0x2  }
0x30: {  	s31 =	sshll.u32 s1, $0xD;
	s1 =	sshrl.u32 s1, $0x2  }
0x31: {  	s3 =	sand.u32 $0x4000, s31;
	s1 =	sadd.s32 s1, s30  }
0x32: {  	s0 =	sor.u32 s3, s0;
	s1 =	sshll.u32 s1, $0x11  }
0x33: {  	s0 =	sor.u32 s1, s0  }
0x34: {  	s0 =	sadd.s32 $0x8F2B, s0  }
0x35: {  	[sflag:s0] =	ssyncadd.remote.s32 $0x1  }
0x36: {  	_ =	sfence.sel $0xFFFF  }
0x37: {  	[dreg:$0x0] =	wrdreg $0xFFFFFFFF;
	(pc) =	sbr.abs _section_cstart, $3  }
0x38: {  	[dreg:$0x1] =	wrdreg $0xFFFFFFFF  }
0x39: {  	_ =	task.clear_ibuf [dreg:s7], $0x2FFFF;
	_ =	strace $0x9FFFFFFF  }
0x3a: {  	(tm) =	ssettm $0x7FFFFFFF  }
0x3b: {  	_ =	shalt  }
tec
execute0_lowered:
.L_overlay_start_1:
0x0: {  	(tag) =	ssettag $0x1  }
0x1: {  	s0 =	srdreg.scid  }
0x2: {  	s1 =	sshll.u32 s0, $0x4  }
0x3: {  	s4 =	rddreg [dreg:$0x0];
	s0 =	stileid.u32;
	s1 =	sand.u32 $0x10, s1  }
0x4: {  	s2 =	rddreg [dreg:$0x1];
	s7 =	simm.s32 $0x1;
	s1 =	sor.u32 s0, s1  }
0x5: {  	s8 =	simm.s32 $0x2;
	s11 =	simm.s32 $0x0;
	s3 =	sshll.u32 s1, $0x7  }
0x6: {  	s10 =	simm.s32 $0x0;
	s4 =	sadd.s32 $0x384600, s4;
	s6 =	ssub.s32 $0x62000, s3  }
.Ltmp0:
0x7: {  	s1 =	rddreg [dreg:$0x2];
	s5 =	sand.u32 $0xF80, s6;
	(pc) =	sbr.rel .LBB1_1-.Ltmp0, $4  }
0x8: {  	_ =	strace $0x80000047;
	s9 =	smov.u32 s3;
	p0 =	sne.s32 s5, $0x0  }
0x9: {  	s6 =	sshrl.u32 s6, $0xC;
	s5 =	simm.s32 $0x1;
	s7 =	simm.s32 @!p0 $0x0  }
0xa: {  	[sflag:s5] =	ssyncpa.u1 $0x0;
	p0 =	por $0x0, $0x0;
	s6 =	sadd.s32 s7, s6  }
0xb: {  	[sflag:s8] =	ssyncpa.u1 $0x0;
	s8 =	simm.s32 $0x310000;
	s7 =	sadd.s32 $0x1, s6  }
.LBB1_4:
0xc: {  	s14 =	sshll.u32 s11, $0x3  }
0xd: {  	s30 =	sand.u32 $0x7F, s11;
	s15 =	sand.u32 $0xFFFFFC00, s14  }
0xe: {  	s11 =	sor.u32 s30, s15  }
0xf: {  	s15 =	smulhi.u32 $0x5397829D, s11  }
0x10: {  	s14 =	smulhi.u32 $0x5397829D, s14  }
0x11: {  	s15 =	sshrl.u32 s15, $0x11  }
0x12: {  	s14 =	sshrl.u32 s14, $0x11;
	s15 =	smul.u32 $0x62000, s15  }
0x13: {  	s14 =	sand.u32 $0x3F, s14  }
0x14: {  	s14 =	smul.u32 $0xC400, s14;
	s11 =	ssub.s32 s11, s15  }
0x15: {  	[tilespmem:s13+$0x810 ss:$0x81] =	vst.msk $0xffff, v2;
	s15 =	sand.u32 $0x7, s11  }
0x16: {  	[tilespmem:s13+$0x1020 ss:$0x81] =	vst.msk $0xffff, v0;
	s14 =	sadd.s32 s2, s14;
	s11 =	sshrl.u32 s11, $0x3;
	s15 =	sshll.u32 s15, $0x12  }
0x17: {  	[tilespmem:s13+$0x0 ss:$0x81] =	vst.msk $0xffff, v1;
	s11 =	sadd.s32 s11, s14;
	s31 =	sor.u32 $0x400, s15  }
0x18: {  	[hbm4b:s11+s31] =	stream.strided.scatter [tilespmem:s12], [sflag:$0x2], $0x2000, s8, s31, $0x20;
	[tilespmem:$0x8080] =	vst v63  }
.LBB1_5:
0x19: {  	s13 =	sadd.s32 $0x1000, s9  }
0x1a: {  	p2 =	sgt.s32 s13, $0x61FFF  }
0x1b: {  	s13 =	smov.u32 @p2 s3;
	p2 =	sne.s32 s10, s7  }
.Ltmp1:
0x1c: {  	p1 =	slt.u32 s10, $0x2;
	(pc) =	sbr.rel @!p2 .LBB1_6-.Ltmp1, $4  }
0x1d: {  	s12 =	simm.s32 @!p1 $0x2  }
0x1e: {  	s14 =	sadd.s32 $0x1, s10;
	_ =	swait.ge @!p1 [sflag:s12], $0x2000  }
0x1f: {  	s11 =	smov.u32 s9;
	p0 =	por !p0, !p0;
	[sflag:s12] =	ssyncset.done @!p1 $0x0  }
0x20: {  	s10 =	smov.u32 s14;
	s9 =	smov.u32 s13;
	[sflag:s12] =	ssyncadd.s32 @!p1 $0xFFFFE000  }
.LBB1_1:
0x21: {  	p1 =	sge.u32 s10, s6  }
0x22: {  	s12 =	sand.u32 @!p1 $0x1FFFFFF, s9  }
0x23: {  	s13 =	smulhi.u32 @!p1 $0x14E5E0B, s12;
	_ =	sdelay $0x1  }
0x24: {  	s13 =	sshrl.u32 @!p1 s13, $0xB  }
0x25: {  	s13 =	smul.u32 @!p1 $0x62000, s13;
	_ =	sdelay $0x1  }
0x26: {  	s31 =	sadd.s32 $0xFFFFFFFF, s10;
	s14 =	sxor.u32 @!p1 $0xFFFFFFFF, s10;
	s12 =	ssub.s32 @!p1 s12, s13  }
0x27: {  	s15 =	simm.s32 @!p1 $0x80;
	s14 =	sshll.u32 @!p1 s14, $0xD;
	s12 =	sshll.u32 @!p1 s12, $0x4  }
0x28: {  	s13 =	sand.u32 @!p1 $0x2000, s14;
	s14 =	simm.s32 @!p1 $0x40;
	s12 =	sadd.s32 @!p1 s4, s12  }
0x29: {  	[tilespmem:s13], [sflag:$0x1] =	stream.strided.gather @!p1 [hbm4b:s12+s14], $0x2000, s15, s14, $0x38;
	[tilespmem:$0x8080] =	vst v63  }
0x2a: {  	p1 =	sge.u32 s31, s6  }
.Ltmp2:
0x2b: {  	_ = 	snop;
	(pc) =	sbr.rel @p1 .LBB1_5-.Ltmp2, $1  }
0x2c: {  	_ =	sdelay $0x3  }
0x2d: {  	s12 =	simm.s32 $0x1  }
0x2e: {  	_ =	swait.ge [sflag:s5], $0x2000;
	s12 =	simm.s32 @!p0 $0x0  }
0x2f: {  	[sflag:s5] =	ssyncset.done $0x0;
	s13 =	sshll.u32 s12, $0xD  }
0x30: {  	[sflag:s5] =	ssyncadd.s32 $0xFFFFE000;
	s16 =	sor.u32 $0x20, s13  }
0x31: {  	s12 =	smul.u32 $0x8100, s12;
	v3 =	vld [tilespmem:s16+$0x10]  }
0x32: {  	s30 =	sand.u32 $0x1, s10;
	v2 =	vld [tilespmem:s16+$0xFFFFFFF0]  }
0x33: {  	s13 =	smul.u32 $0x8100, s30;
	s12 =	sshrl.u32 s12, $0x2;
	v0 =	vld [tilespmem:s16+$0x0]  }
0x34: {  	v1 =	vld [tilespmem:s16+$0xFFFFFFE0];
	s14 =	sor.u32 $0x4000, s12  }
0x35: {  	s31 =	sshrl.u32 s13, $0x2;
	s13 =	sadd.s32 $0x0, s14  }
0x36: {  	s15 =	simm.s32 $0x4;
	s16 =	sadd.s32 $0x40, s16;
	s12 =	sor.u32 $0x4000, s31;
	[tilespmem:s13+$0x1830 ss:$0x81] =	vst.msk $0xffff, v3  }
.LBB1_3:
0x37: {  	v3 =	vld [tilespmem:s16+$0x10];
	p1 =	sne.s32 s15, $0x1FC;
	[tilespmem:s13+$0x810 ss:$0x81] =	vst.msk $0xffff, v2;
	s17 =	smov.u32 s15;
	s15 =	sadd.s32 $0x4, s15  }
.Ltmp3:
0x38: {  	v2 =	vld [tilespmem:s16+$0xFFFFFFF0];
	[tilespmem:s13+$0x1020 ss:$0x81] =	vst.msk $0xffff, v0;
	(pc) =	sbr.rel @p1 .LBB1_3-.Ltmp3, $4  }
0x39: {  	v0 =	vld [tilespmem:s16+$0x0];
	[tilespmem:s13+$0x0 ss:$0x81] =	vst.msk $0xffff, v1  }
0x3a: {  	s13 =	sshra.s32 s17, $0x2;
	v1 =	vld [tilespmem:s16+$0xFFFFFFE0]  }
0x3b: {  	s13 =	sadd.s32 s13, s14  }
0x3c: {  	s16 =	sadd.s32 $0x40, s16;
	[tilespmem:s13+$0x1830 ss:$0x81] =	vst.msk $0xffff, v3  }
.Ltmp4:
0x3d: {  	_ = 	snop;
	(pc) =	sbr.rel .LBB1_4-.Ltmp4, $1  }
0x3e: {  	_ =	sdelay $0x3  }
.LBB1_6:
0x3f: {  	_ =	sfence.sel $0x180000  }
0x40: {  	s2 =	simm.s32 $0x1;
	[bflag:$0x0] =	sbarrier.arrive $0xFFFF  }
0x41: {  	s31 =	simm.s32 $0x2;
	[sflag:s2] =	ssyncpa.u1 $0x1  }
0x42: {  	[sflag:s31] =	ssyncpa.u1 $0x1  }
0x43: {  	p0 =	sne.s32 s0, $0x0;
	_ =	strace $0x90000047  }
0x44: {  	s0 =	sadd.s32 @!p0 $0x100000, s1;
	[bflag:$0x2] =	sbarrier.arrive $0xFFFF  }
0x45: {  	[sflag:s0] =	ssyncadd.tile.s32 @!p0 $0x1;
	_ =	shalt  }
.Lfunc_end1:
_tile_overlayer_lowered:
.L_overlay_start_2:
0x46: {  	(tag) =	ssettag $0x2  }
0x47: {  	s0 =	rddreg [dreg:$0x0];
	s2 =	stileid.u32  }
0x48: {  	s1 =	rddreg [dreg:$0x1];
	p0 =	sne.s32 s2, $0x0  }
0x49: {  	s3 =	rddreg [dreg:$0x2];
	[bflag:$0x3] =	sbarrier.arrive $0xFFFF;
	s2 =	simm.s32 @!p0 $0x1C01  }
0x4a: {  	[timem:s3], [sflag:s2] =	dma.local @!p0 [hbm:s0], s1  }
0x4b: {  	s0 =	simm.s32 @!p0 $0x1  }
0x4c: {  	_ =	swait.ge @!p0 [sflag:s0], s1  }
0x4d: {  	s1 =	ssub.s32 @!p0 $0x0, s1;
	[sflag:s0] =	ssyncset.done @!p0 $0x0  }
0x4e: {  	[sflag:s0] =	ssyncadd.s32 @!p0 s1  }
0x4f: {  	[bflag:$0x3] =	sbarrier.arrive $0xFFFF  }
0x50: {  	_ =	shalt  }

</sc_bundles>
